<compile_context>
chip_gen: v7x
topology: tpu7x:2x2x1
jax: 0.10.2.dev20260603
libtpu: 0.0.44.dev20260713+nightly
codegen_flags: <defaults>
</compile_context>

<pallas_src>
import jax
import jax.numpy as jnp
from jax import lax
from jax.experimental import pallas as pl
from jax.experimental.pallas import tpu as pltpu
from jax.experimental.pallas import tpu_sc as plsc

_N = 10000
_E = 320000
_G = 64
_NB = 16
_BN = 632
_NP = _NB * _BN
_RPT = _NP // 16
_CH = 128
_NC0 = 79
_NC = 158
_EPAD = 32 * _NC0 * _CH
_ECH = _EPAD // _CH


def _sc_mesh():
    return plsc.VectorSubcoreMesh(core_axis_name="c", subcore_axis_name="s",
                                  num_cores=2, num_subcores=16)


def _agg_pipeline(h_ref, idx_ref, dst_ref, accum, bufs, ebase, dbase, nc):
    (sidx0, didx0, rows0, sem0), (sidx1, didx1, rows1, sem1) = bufs

    def load_idx(i, sidx, didx):
        pltpu.sync_copy(idx_ref.at[pl.ds(ebase + i * _CH, _CH)], sidx)
        pltpu.sync_copy(dst_ref.at[pl.ds(dbase + i * _CH, _CH)], didx)

    def gstart(sidx, rows, sem):
        pltpu.async_copy(h_ref.at[sidx], rows, sem)

    def gwait(sidx, rows, sem):
        pltpu.make_async_copy(h_ref.at[sidx], rows, sem).wait()

    def scat(didx, rows):
        pltpu.sync_copy(rows, accum.at[didx], add=True)

    load_idx(0, sidx0, didx0)
    gstart(sidx0, rows0, sem0)

    def step(j, carry):
        i0 = 2 * j
        load_idx(i0 + 1, sidx1, didx1)
        gstart(sidx1, rows1, sem1)
        gwait(sidx0, rows0, sem0)
        scat(didx0, rows0)

        @pl.when(j < nc // 2 - 1)
        def _():
            load_idx(i0 + 2, sidx0, didx0)
            gstart(sidx0, rows0, sem0)

        gwait(sidx1, rows1, sem1)
        scat(didx1, rows1)
        return carry

    lax.fori_loop(0, nc // 2, step, 0)
    if nc % 2:
        load_idx(nc - 1, sidx0, didx0)
        pltpu.async_copy(h_ref.at[sidx0], rows0, sem0).wait()
        scat(didx0, rows0)


def _sc_scratch():
    buf = [
        pltpu.VMEM((_CH,), jnp.int32),
        pltpu.VMEM((_CH,), jnp.int32),
        pltpu.VMEM((_CH, 128), jnp.float32),
        pltpu.SemaphoreType.DMA,
    ]
    return buf + buf + [pltpu.VMEM_SHARED((_NP, 128), jnp.float32)]


def _sc_agg0(xp, idx, dstpad, zeros):

    def body(x_ref, idx_ref, dst_ref, zeros_ref, z_ref,
             s0, d0, r0, g0, s1, d1, r1, g1, accum):
        c = lax.axis_index("c")
        s = lax.axis_index("s")
        ebase = (c * 16 + s) * _NC0 * _CH
        pltpu.sync_copy(zeros_ref, accum.at[pl.ds(s * _RPT, _RPT)])
        plsc.subcore_barrier()
        _agg_pipeline(x_ref, idx_ref, dst_ref, accum,
                      ((s0, d0, r0, g0), (s1, d1, r1, g1)),
                      ebase, ebase, _NC0)
        plsc.subcore_barrier()
        pltpu.sync_copy(accum.at[pl.ds(s * _RPT, _RPT)],
                        z_ref.at[pl.ds(c * _NP + s * _RPT, _RPT)])

    f = pl.kernel(
        body,
        out_type=jax.ShapeDtypeStruct((2 * _NP, 128), jnp.float32),
        mesh=_sc_mesh(),
        scratch_types=_sc_scratch(),
    )
    return f(xp, idx, dstpad, zeros)


def _sc_agg(hcat, idxcat, dstpad):

    def body(hcat_ref, idx_ref, dst_ref, z_ref,
             s0, d0, r0, g0, s1, d1, r1, g1, accum):
        c = lax.axis_index("c")
        s = lax.axis_index("s")
        pltpu.sync_copy(hcat_ref.at[pl.ds(c * _NP + s * _RPT, _RPT)],
                        accum.at[pl.ds(s * _RPT, _RPT)])
        plsc.subcore_barrier()
        _agg_pipeline(hcat_ref, idx_ref, dst_ref, accum,
                      ((s0, d0, r0, g0), (s1, d1, r1, g1)),
                      c * _EPAD + s * _NC * _CH, s * _NC * _CH, _NC)
        plsc.subcore_barrier()
        pltpu.sync_copy(accum.at[pl.ds(s * _RPT, _RPT)],
                        z_ref.at[pl.ds(c * _NP + s * _RPT, _RPT)])

    f = pl.kernel(
        body,
        out_type=jax.ShapeDtypeStruct((2 * _NP, 128), jnp.float32),
        mesh=_sc_mesh(),
        scratch_types=_sc_scratch(),
    )
    return f(hcat, idxcat, dstpad)


def _mlp0(xp, z2, W1, b1, W2, b2):

    def body(x_ref, z_ref, w1_ref, b1_ref, w2_ref, b2_ref, o_ref):
        zz = x_ref[...] + z_ref[0] + z_ref[1]
        t = jnp.maximum(
            jnp.dot(zz, w1_ref[...], preferred_element_type=jnp.float32)
            + b1_ref[...], 0.0)
        h = jnp.dot(t, w2_ref[...], preferred_element_type=jnp.float32) + b2_ref[...]
        h = jnp.maximum(h, 0.0)
        o_ref[0, :, :] = h[:, :128]
        o_ref[1, :, :] = h[:, 128:]

    return pl.pallas_call(
        body,
        grid=(_NB,),
        in_specs=[
            pl.BlockSpec((_BN, 128), lambda i: (i, 0)),
            pl.BlockSpec((2, _BN, 128), lambda i: (0, i, 0)),
            pl.BlockSpec((128, 256), lambda i: (0, 0)),
            pl.BlockSpec((1, 256), lambda i: (0, 0)),
            pl.BlockSpec((256, 256), lambda i: (0, 0)),
            pl.BlockSpec((1, 256), lambda i: (0, 0)),
        ],
        out_specs=pl.BlockSpec((2, _BN, 128), lambda i: (0, i, 0)),
        out_shape=jax.ShapeDtypeStruct((2, _NP, 128), jnp.float32),
    )(xp, z2, W1, b1, W2, b2)


def _mlp(z2, W1r, b1, W2, b2):

    def body(z_ref, w1_ref, b1_ref, w2_ref, b2_ref, o_ref):
        t = (jnp.dot(z_ref[0], w1_ref[0], preferred_element_type=jnp.float32)
             + jnp.dot(z_ref[1], w1_ref[1], preferred_element_type=jnp.float32))
        t = jnp.maximum(t + b1_ref[...], 0.0)
        h = jnp.dot(t, w2_ref[...], preferred_element_type=jnp.float32) + b2_ref[...]
        h = jnp.maximum(h, 0.0)
        o_ref[0, :, :] = h[:, :128]
        o_ref[1, :, :] = h[:, 128:]

    return pl.pallas_call(
        body,
        grid=(_NB,),
        in_specs=[
            pl.BlockSpec((2, _BN, 128), lambda i: (0, i, 0)),
            pl.BlockSpec((2, 128, 256), lambda i: (0, 0, 0)),
            pl.BlockSpec((1, 256), lambda i: (0, 0)),
            pl.BlockSpec((256, 256), lambda i: (0, 0)),
            pl.BlockSpec((1, 256), lambda i: (0, 0)),
        ],
        out_specs=pl.BlockSpec((2, _BN, 128), lambda i: (0, i, 0)),
        out_shape=jax.ShapeDtypeStruct((2, _NP, 128), jnp.float32),
    )(z2, W1r, b1, W2, b2)


def _mlp_pool(z2, W1r, b1, W2, b2, batch3, Wfc, bfc):

    def body(z_ref, w1_ref, b1_ref, w2_ref, b2_ref, b_ref, wfc_ref, bfc_ref,
             o_ref, sums, counts):
        i = pl.program_id(0)

        @pl.when(i == 0)
        def _():
            sums[...] = jnp.zeros_like(sums)
            counts[...] = jnp.zeros_like(counts)

        t = (jnp.dot(z_ref[0], w1_ref[0], preferred_element_type=jnp.float32)
             + jnp.dot(z_ref[1], w1_ref[1], preferred_element_type=jnp.float32))
        t = jnp.maximum(t + b1_ref[...], 0.0)
        h = jnp.dot(t, w2_ref[...], preferred_element_type=jnp.float32) + b2_ref[...]
        h = jnp.maximum(h, 0.0)

        b = b_ref[0, 0, :]
        gids = lax.broadcasted_iota(jnp.int32, (_G, _BN), 0)
        A = (b[None, :] == gids).astype(jnp.float32)
        sums[...] += jnp.dot(A, h, preferred_element_type=jnp.float32)
        counts[...] += jnp.broadcast_to(
            jnp.sum(A, axis=1, keepdims=True), (_G, 256))

        @pl.when(i == _NB - 1)
        def _():
            pooled = sums[...] / jnp.maximum(counts[...], 1.0)
            o_ref[...] = (jnp.dot(pooled, wfc_ref[...],
                                  preferred_element_type=jnp.float32)
                          + bfc_ref[...])

    return pl.pallas_call(
        body,
        grid=(_NB,),
        in_specs=[
            pl.BlockSpec((2, _BN, 128), lambda i: (0, i, 0)),
            pl.BlockSpec((2, 128, 256), lambda i: (0, 0, 0)),
            pl.BlockSpec((1, 256), lambda i: (0, 0)),
            pl.BlockSpec((256, 256), lambda i: (0, 0)),
            pl.BlockSpec((1, 256), lambda i: (0, 0)),
            pl.BlockSpec((1, 1, _BN), lambda i: (i, 0, 0)),
            pl.BlockSpec((256, 128), lambda i: (0, 0)),
            pl.BlockSpec((1, 128), lambda i: (0, 0)),
        ],
        out_specs=pl.BlockSpec((_G, 128), lambda i: (0, 0)),
        out_shape=jax.ShapeDtypeStruct((_G, 128), jnp.float32),
        scratch_shapes=[
            pltpu.VMEM((_G, 256), jnp.float32),
            pltpu.VMEM((_G, 256), jnp.float32),
        ],
    )(z2, W1r, b1, W2, b2, batch3, Wfc, bfc)


def kernel(x, edge_index, edge_attr, batch,
           W1_0, b1_0, W2_0, b2_0,
           W1_1, b1_1, W2_1, b2_1,
           W1_2, b1_2, W2_2, b2_2,
           W_fc, b_fc):
    src = edge_index[0]
    dst = edge_index[1]
    pe = _EPAD - _E
    srcp = jnp.concatenate([src, jnp.zeros((pe,), jnp.int32)])
    idxcat = jnp.concatenate([srcp, srcp + _NP])
    dstpad = jnp.concatenate([dst, jnp.full((pe,), _N, jnp.int32)])

    xp = jnp.pad(x, ((0, _NP - _N), (0, 0)))
    zeros = jnp.zeros((_RPT, 128), jnp.float32)

    z = _sc_agg0(xp, srcp, dstpad, zeros)
    h = _mlp0(xp, z.reshape(2, _NP, 128), W1_0, b1_0.reshape(1, 256),
              W2_0, b2_0.reshape(1, 256))
    z = _sc_agg(h.reshape(2 * _NP, 128), idxcat, dstpad)
    h = _mlp(z.reshape(2, _NP, 128), W1_1.reshape(2, 128, 256),
             b1_1.reshape(1, 256), W2_1, b2_1.reshape(1, 256))
    z = _sc_agg(h.reshape(2 * _NP, 128), idxcat, dstpad)

    batch3 = jnp.concatenate(
        [batch, jnp.full((_NP - _N,), _G, jnp.int32)]).reshape(_NB, 1, _BN)
    return _mlp_pool(z.reshape(2, _NP, 128), W1_2.reshape(2, 128, 256),
                     b1_2.reshape(1, 256), W2_2, b2_2.reshape(1, 256),
                     batch3, W_fc, b_fc.reshape(1, 128))

# --- scband reference (transcript-rebuilt; emitter-appended) ---
"""Pipeline reference for scband-gin-20890720928312 (READ-ONLY COPY).

The authoritative reference and input builder live on the scoring server;
editing this copy changes nothing except your own understanding.
"""

import jax, jax.numpy as jnp
import numpy as np

N = 10000
E = 320000
D_IN = 128
D_H = 256
D_OUT = 128
D_EDGE = 16
G = 64


def setup_inputs(seed: int = 0) -> dict:
    key = jax.random.key(seed)
    ks = jax.random.split(key, 24)
    x = jax.random.normal(ks[0], (N, D_IN), dtype=jnp.float32)
    edge_index = jax.random.randint(ks[1], (2, E), 0, N, dtype=jnp.int32)
    edge_attr = jax.random.normal(ks[2], (E, D_EDGE), dtype=jnp.float32)
    batch = jnp.sort(jax.random.randint(ks[3], (N,), 0, G, dtype=jnp.int32))
    inp = {
        'x': x,
        'edge_index': edge_index,
        'edge_attr': edge_attr,
        'batch': batch,
    }
    dims = [(D_IN, D_H), (D_H, D_H), (D_H, D_H)]
    for li, (di, dh) in enumerate(dims):
        inp[f'W1_{li}'] = jax.random.normal(ks[4 + 4 * li], (di, dh), dtype=jnp.float32) * 0.05
        inp[f'b1_{li}'] = jnp.zeros((dh,), dtype=jnp.float32)
        inp[f'W2_{li}'] = jax.random.normal(ks[5 + 4 * li], (dh, dh), dtype=jnp.float32) * 0.05
        inp[f'b2_{li}'] = jnp.zeros((dh,), dtype=jnp.float32)
    inp['W_fc'] = jax.random.normal(ks[20], (D_H, D_OUT), dtype=jnp.float32) * 0.05
    inp['b_fc'] = jnp.zeros((D_OUT,), dtype=jnp.float32)
    return inp


def _gin_conv(h, edge_index, W1, b1, W2, b2):
    # PyG GINConv with default eps=0: nn((1+eps)*x + sum_{j in N(i)} x_j)
    src = edge_index[0]
    dst = edge_index[1]
    msgs = jnp.take(h, src, axis=0)
    agg = jax.ops.segment_sum(msgs, dst, num_segments=h.shape[0])
    z = h + agg
    z = jnp.maximum(z @ W1 + b1, 0.0)
    z = z @ W2 + b2
    return z


def reference(x, edge_index, edge_attr, batch,
              W1_0, b1_0, W2_0, b2_0,
              W1_1, b1_1, W2_1, b2_1,
              W1_2, b1_2, W2_2, b2_2,
              W_fc, b_fc):
    # edge_attr is accepted but unused by GINConv (matches the torch module)
    layers = [(W1_0, b1_0, W2_0, b2_0), (W1_1, b1_1, W2_1, b2_1), (W1_2, b1_2, W2_2, b2_2)]
    h = x
    for (W1, b1, W2, b2) in layers:
        h = jnp.maximum(_gin_conv(h, edge_index, W1, b1, W2, b2), 0.0)
        # dropout p=0.0 (eval): identity
    sums = jax.ops.segment_sum(h, batch, num_segments=G)
    counts = jax.ops.segment_sum(jnp.ones((h.shape[0], 1), h.dtype), batch, num_segments=G)
    pooled = sums / jnp.maximum(counts, 1.0)
    return pooled @ W_fc + b_fc

if __name__ == "__main__":
    import jax
    _d = setup_inputs()
    print(jax.jit(kernel)(*tuple(_d.values())))

</pallas_src>

<mosaic_0001>
#map = affine_map<(d0, d1) -> (0, 0)>
#map1 = affine_map<(d0, d1) -> (0)>
module attributes {stable_mosaic.version = 14 : i64} {
  func.func @body(%arg0: i32, %arg1: i32, %arg2: memref<20224x128xf32, #tpu.memory_space<hbm>>, %arg3: memref<647168xi32, #tpu.memory_space<hbm>>, %arg4: memref<323584xi32, #tpu.memory_space<hbm>>, %arg5: memref<20224x128xf32, #tpu.memory_space<hbm>>, %arg6: memref<128xi32, #tpu.memory_space<vmem>>, %arg7: memref<128xi32, #tpu.memory_space<vmem>>, %arg8: memref<128x128xf32, #tpu.memory_space<vmem>>, %arg9: memref<!tpu.dma_semaphore, #tpu.memory_space<semaphore_mem>>, %arg10: memref<128xi32, #tpu.memory_space<vmem>>, %arg11: memref<128xi32, #tpu.memory_space<vmem>>, %arg12: memref<128x128xf32, #tpu.memory_space<vmem>>, %arg13: memref<!tpu.dma_semaphore, #tpu.memory_space<semaphore_mem>>, %arg14: memref<10112x128xf32, #tpu.memory_space<vmem_shared>>) attributes {dimension_semantics = [#tpu.dimension_semantics<core_parallel>, #tpu.dimension_semantics<subcore_parallel>], iteration_bounds = array<i64: 2, 16>, scalar_prefetch = 0 : i64, scratch_operands = 9 : i64, tpu.core_type = #tpu.core_type<sc_vector_subcore>, window_params = [{transform_indices = #map}, {transform_indices = #map1}, {transform_indices = #map1}, {transform_indices = #map}]} {
    %mul3A = arith.constant 10112 : i32
    %mul3A_0 = arith.muli %arg0, %mul3A : i32
    %mul3A_1 = arith.constant 632 : i32
    %mul3A_2 = arith.muli %arg1, %mul3A_1 : i32
    %add3A = arith.addi %mul3A_0, %mul3A_2 : i32
    %mul3A_3 = arith.constant 632 : i32
    %mul3A_4 = arith.muli %arg1, %mul3A_3 : i32
    "tpu.region"() ({
      %run_scoped3A = tpu.sem_alloc : memref<!tpu.dma_semaphore, #tpu.memory_space<semaphore_mem>>
      %dma_start3A_35 = arith.constant 0 : i32
      %dma_start3A_36 = tpu.memref_slice %arg14[%mul3A_4, %dma_start3A_35] : memref<10112x128xf32, #tpu.memory_space<vmem_shared>> -> memref<632x128xf32, #tpu.memory_space<vmem_shared>>
      %dma_start3A_37 = arith.constant 0 : i32
      %dma_start3A_38 = tpu.memref_slice %arg2[%add3A, %dma_start3A_37] : memref<20224x128xf32, #tpu.memory_space<hbm>> -> memref<632x128xf32, #tpu.memory_space<hbm>>
      tpu.enqueue_dma source(%dma_start3A_38 : memref<632x128xf32, #tpu.memory_space<hbm>>) target(%dma_start3A_36 : memref<632x128xf32, #tpu.memory_space<vmem_shared>>) target_semaphore(%run_scoped3A : memref<!tpu.dma_semaphore, #tpu.memory_space<semaphore_mem>>)
      %dma_wait3A = arith.constant 0 : i32
      %dma_wait3A_39 = tpu.memref_slice %arg14[%mul3A_4, %dma_wait3A] : memref<10112x128xf32, #tpu.memory_space<vmem_shared>> -> memref<632x128xf32, #tpu.memory_space<vmem_shared>>
      %dma_wait3A_40 = arith.constant 0 : i32
      %dma_wait3A_41 = tpu.memref_slice %arg2[%add3A, %dma_wait3A_40] : memref<20224x128xf32, #tpu.memory_space<hbm>> -> memref<632x128xf32, #tpu.memory_space<hbm>>
      tpu.wait_dma2 semaphore(%run_scoped3A : memref<!tpu.dma_semaphore, #tpu.memory_space<semaphore_mem>>) src(%dma_wait3A_41 : memref<632x128xf32, #tpu.memory_space<hbm>>) dst(%dma_wait3A_39 : memref<632x128xf32, #tpu.memory_space<vmem_shared>>)
      tpu.yield
    }) : () -> ()
    %barrier3A = arith.constant 0 : index
    tpu.barrier barrier_id(%barrier3A)
    %mul3A_5 = arith.constant 323584 : i32
    %mul3A_6 = arith.muli %arg0, %mul3A_5 : i32
    %mul3A_7 = arith.constant 158 : i32
    %mul3A_8 = arith.muli %arg1, %mul3A_7 : i32
    %mul3A_9 = arith.constant 128 : i32
    %mul3A_10 = arith.muli %mul3A_8, %mul3A_9 : i32
    %add3A_11 = arith.addi %mul3A_6, %mul3A_10 : i32
    %mul3A_12 = arith.constant 158 : i32
    %mul3A_13 = arith.muli %arg1, %mul3A_12 : i32
    %mul3A_14 = arith.constant 128 : i32
    %mul3A_15 = arith.muli %mul3A_13, %mul3A_14 : i32
    %add3A_16 = arith.constant 0 : i32
    %add3A_17 = arith.addi %add3A_11, %add3A_16 : i32
    "tpu.region"() ({
      %run_scoped3A = tpu.sem_alloc : memref<!tpu.dma_semaphore, #tpu.memory_space<semaphore_mem>>
      %dma_start3A_35 = tpu.memref_slice %arg3[%add3A_17] : memref<647168xi32, #tpu.memory_space<hbm>> -> memref<128xi32, #tpu.memory_space<hbm>>
      %dma_start3A_36 = tpu.memref_slice %arg3[%add3A_17] : memref<647168xi32, #tpu.memory_space<hbm>> -> memref<128xi32, #tpu.memory_space<hbm>>
      tpu.enqueue_dma source(%dma_start3A_36 : memref<128xi32, #tpu.memory_space<hbm>>) target(%arg6 : memref<128xi32, #tpu.memory_space<vmem>>) target_semaphore(%run_scoped3A : memref<!tpu.dma_semaphore, #tpu.memory_space<semaphore_mem>>)
      %dma_wait3A = tpu.memref_slice %arg3[%add3A_17] : memref<647168xi32, #tpu.memory_space<hbm>> -> memref<128xi32, #tpu.memory_space<hbm>>
      %dma_wait3A_37 = tpu.memref_slice %arg3[%add3A_17] : memref<647168xi32, #tpu.memory_space<hbm>> -> memref<128xi32, #tpu.memory_space<hbm>>
      tpu.wait_dma2 semaphore(%run_scoped3A : memref<!tpu.dma_semaphore, #tpu.memory_space<semaphore_mem>>) src(%dma_wait3A_37 : memref<128xi32, #tpu.memory_space<hbm>>) dst(%arg6 : memref<128xi32, #tpu.memory_space<vmem>>)
      tpu.yield
    }) : () -> ()
    %add3A_18 = arith.constant 0 : i32
    %add3A_19 = arith.addi %mul3A_15, %add3A_18 : i32
    "tpu.region"() ({
      %run_scoped3A = tpu.sem_alloc : memref<!tpu.dma_semaphore, #tpu.memory_space<semaphore_mem>>
      %dma_start3A_35 = tpu.memref_slice %arg4[%add3A_19] : memref<323584xi32, #tpu.memory_space<hbm>> -> memref<128xi32, #tpu.memory_space<hbm>>
      %dma_start3A_36 = tpu.memref_slice %arg4[%add3A_19] : memref<323584xi32, #tpu.memory_space<hbm>> -> memref<128xi32, #tpu.memory_space<hbm>>
      tpu.enqueue_dma source(%dma_start3A_36 : memref<128xi32, #tpu.memory_space<hbm>>) target(%arg7 : memref<128xi32, #tpu.memory_space<vmem>>) target_semaphore(%run_scoped3A : memref<!tpu.dma_semaphore, #tpu.memory_space<semaphore_mem>>)
      %dma_wait3A = tpu.memref_slice %arg4[%add3A_19] : memref<323584xi32, #tpu.memory_space<hbm>> -> memref<128xi32, #tpu.memory_space<hbm>>
      %dma_wait3A_37 = tpu.memref_slice %arg4[%add3A_19] : memref<323584xi32, #tpu.memory_space<hbm>> -> memref<128xi32, #tpu.memory_space<hbm>>
      tpu.wait_dma2 semaphore(%run_scoped3A : memref<!tpu.dma_semaphore, #tpu.memory_space<semaphore_mem>>) src(%dma_wait3A_37 : memref<128xi32, #tpu.memory_space<hbm>>) dst(%arg7 : memref<128xi32, #tpu.memory_space<vmem>>)
      tpu.yield
    }) : () -> ()
    %dma_start3A = arith.constant 0 : i32
    %dma_start3A_20 = arith.constant 0 : i32
    %dma_start3A_21 = tpu.memref_slice %arg2[%dma_start3A, %dma_start3A_20] : memref<20224x128xf32, #tpu.memory_space<hbm>> -> memref<20224x128xf32, #tpu.memory_space<hbm>>
    tpu.enqueue_indirect_dma source(%dma_start3A_21 : memref<20224x128xf32, #tpu.memory_space<hbm>>) target(%arg8 : memref<128x128xf32, #tpu.memory_space<vmem>>) offsets(%arg6 : memref<128xi32, #tpu.memory_space<vmem>>) semaphore(%arg9 : memref<!tpu.dma_semaphore, #tpu.memory_space<semaphore_mem>>)
    %scan3A = arith.constant 0 : i32
    %scan3A_22 = arith.constant 0 : i32
    %scan3A_23 = arith.constant 79 : i32
    %scan3A_24 = arith.addi %scan3A_22, %scan3A_23 : i32
    %scan3A_25 = arith.constant 1 : i32
    scf.for %scan3A_35 = %scan3A_22 to %scan3A_24 step %scan3A_25  : i32 {
      %mul3A_36 = arith.constant 2 : i32
      %mul3A_37 = arith.muli %mul3A_36, %scan3A_35 : i32
      %add3A_38 = arith.constant 1 : i32
      %add3A_39 = arith.addi %mul3A_37, %add3A_38 : i32
      %mul3A_40 = arith.constant 128 : i32
      %mul3A_41 = arith.muli %add3A_39, %mul3A_40 : i32
      %add3A_42 = arith.addi %add3A_11, %mul3A_41 : i32
      "tpu.region"() ({
        %run_scoped3A = tpu.sem_alloc : memref<!tpu.dma_semaphore, #tpu.memory_space<semaphore_mem>>
        %dma_start3A_56 = tpu.memref_slice %arg3[%add3A_42] : memref<647168xi32, #tpu.memory_space<hbm>> -> memref<128xi32, #tpu.memory_space<hbm>>
        %dma_start3A_57 = tpu.memref_slice %arg3[%add3A_42] : memref<647168xi32, #tpu.memory_space<hbm>> -> memref<128xi32, #tpu.memory_space<hbm>>
        tpu.enqueue_dma source(%dma_start3A_57 : memref<128xi32, #tpu.memory_space<hbm>>) target(%arg10 : memref<128xi32, #tpu.memory_space<vmem>>) target_semaphore(%run_scoped3A : memref<!tpu.dma_semaphore, #tpu.memory_space<semaphore_mem>>)
        %dma_wait3A_58 = tpu.memref_slice %arg3[%add3A_42] : memref<647168xi32, #tpu.memory_space<hbm>> -> memref<128xi32, #tpu.memory_space<hbm>>
        %dma_wait3A_59 = tpu.memref_slice %arg3[%add3A_42] : memref<647168xi32, #tpu.memory_space<hbm>> -> memref<128xi32, #tpu.memory_space<hbm>>
        tpu.wait_dma2 semaphore(%run_scoped3A : memref<!tpu.dma_semaphore, #tpu.memory_space<semaphore_mem>>) src(%dma_wait3A_59 : memref<128xi32, #tpu.memory_space<hbm>>) dst(%arg10 : memref<128xi32, #tpu.memory_space<vmem>>)
        tpu.yield
      }) : () -> ()
      %mul3A_43 = arith.constant 128 : i32
      %mul3A_44 = arith.muli %add3A_39, %mul3A_43 : i32
      %add3A_45 = arith.addi %mul3A_15, %mul3A_44 : i32
      "tpu.region"() ({
        %run_scoped3A = tpu.sem_alloc : memref<!tpu.dma_semaphore, #tpu.memory_space<semaphore_mem>>
        %dma_start3A_56 = tpu.memref_slice %arg4[%add3A_45] : memref<323584xi32, #tpu.memory_space<hbm>> -> memref<128xi32, #tpu.memory_space<hbm>>
        %dma_start3A_57 = tpu.memref_slice %arg4[%add3A_45] : memref<323584xi32, #tpu.memory_space<hbm>> -> memref<128xi32, #tpu.memory_space<hbm>>
        tpu.enqueue_dma source(%dma_start3A_57 : memref<128xi32, #tpu.memory_space<hbm>>) target(%arg11 : memref<128xi32, #tpu.memory_space<vmem>>) target_semaphore(%run_scoped3A : memref<!tpu.dma_semaphore, #tpu.memory_space<semaphore_mem>>)
        %dma_wait3A_58 = tpu.memref_slice %arg4[%add3A_45] : memref<323584xi32, #tpu.memory_space<hbm>> -> memref<128xi32, #tpu.memory_space<hbm>>
        %dma_wait3A_59 = tpu.memref_slice %arg4[%add3A_45] : memref<323584xi32, #tpu.memory_space<hbm>> -> memref<128xi32, #tpu.memory_space<hbm>>
        tpu.wait_dma2 semaphore(%run_scoped3A : memref<!tpu.dma_semaphore, #tpu.memory_space<semaphore_mem>>) src(%dma_wait3A_59 : memref<128xi32, #tpu.memory_space<hbm>>) dst(%arg11 : memref<128xi32, #tpu.memory_space<vmem>>)
        tpu.yield
      }) : () -> ()
      %dma_start3A_46 = arith.constant 0 : i32
      %dma_start3A_47 = arith.constant 0 : i32
      %dma_start3A_48 = tpu.memref_slice %arg2[%dma_start3A_46, %dma_start3A_47] : memref<20224x128xf32, #tpu.memory_space<hbm>> -> memref<20224x128xf32, #tpu.memory_space<hbm>>
      tpu.enqueue_indirect_dma source(%dma_start3A_48 : memref<20224x128xf32, #tpu.memory_space<hbm>>) target(%arg12 : memref<128x128xf32, #tpu.memory_space<vmem>>) offsets(%arg10 : memref<128xi32, #tpu.memory_space<vmem>>) semaphore(%arg13 : memref<!tpu.dma_semaphore, #tpu.memory_space<semaphore_mem>>)
      %dma_wait3A = arith.constant 0 : i32
      %dma_wait3A_49 = arith.constant 0 : i32
      %dma_wait3A_50 = tpu.memref_slice %arg2[%dma_wait3A, %dma_wait3A_49] : memref<20224x128xf32, #tpu.memory_space<hbm>> -> memref<20224x128xf32, #tpu.memory_space<hbm>>
      tpu.wait_indirect_dma semaphore(%arg9 : memref<!tpu.dma_semaphore, #tpu.memory_space<semaphore_mem>>) src(%dma_wait3A_50 : memref<20224x128xf32, #tpu.memory_space<hbm>>) dst(%arg8 : memref<128x128xf32, #tpu.memory_space<vmem>>)
      "tpu.region"() ({
        %run_scoped3A = tpu.sem_alloc : memref<!tpu.dma_semaphore, #tpu.memory_space<semaphore_mem>>
        %dma_start3A_56 = arith.constant 0 : i32
        %dma_start3A_57 = arith.constant 0 : i32
        %dma_start3A_58 = tpu.memref_slice %arg14[%dma_start3A_56, %dma_start3A_57] : memref<10112x128xf32, #tpu.memory_space<vmem_shared>> -> memref<10112x128xf32, #tpu.memory_space<vmem_shared>>
        tpu.enqueue_indirect_dma source(%arg8 : memref<128x128xf32, #tpu.memory_space<vmem>>) target(%dma_start3A_58 : memref<10112x128xf32, #tpu.memory_space<vmem_shared>>) offsets(%arg7 : memref<128xi32, #tpu.memory_space<vmem>>) semaphore(%run_scoped3A : memref<!tpu.dma_semaphore, #tpu.memory_space<semaphore_mem>>) {add = true}
        %dma_wait3A_59 = arith.constant 0 : i32
        %dma_wait3A_60 = arith.constant 0 : i32
        %dma_wait3A_61 = tpu.memref_slice %arg14[%dma_wait3A_59, %dma_wait3A_60] : memref<10112x128xf32, #tpu.memory_space<vmem_shared>> -> memref<10112x128xf32, #tpu.memory_space<vmem_shared>>
        tpu.wait_indirect_dma semaphore(%run_scoped3A : memref<!tpu.dma_semaphore, #tpu.memory_space<semaphore_mem>>) src(%arg8 : memref<128x128xf32, #tpu.memory_space<vmem>>) dst(%dma_wait3A_61 : memref<10112x128xf32, #tpu.memory_space<vmem_shared>>)
        tpu.yield
      }) : () -> ()
      %lt3A = arith.constant 78 : i32
      %lt3A_51 = arith.cmpi slt, %scan3A_35, %lt3A : i32
      %convert_element_type3A = arith.extui %lt3A_51 : i1 to i32
      %cond3A = arith.constant 0 : i32
      %cond3A_52 = arith.cmpi ne, %convert_element_type3A, %cond3A : i32
      scf.if %cond3A_52 {
        %add3A_56 = arith.constant 2 : i32
        %add3A_57 = arith.addi %mul3A_37, %add3A_56 : i32
        %mul3A_58 = arith.constant 128 : i32
        %mul3A_59 = arith.muli %add3A_57, %mul3A_58 : i32
        %add3A_60 = arith.addi %add3A_11, %mul3A_59 : i32
        "tpu.region"() ({
          %run_scoped3A = tpu.sem_alloc : memref<!tpu.dma_semaphore, #tpu.memory_space<semaphore_mem>>
          %dma_start3A_67 = tpu.memref_slice %arg3[%add3A_60] : memref<647168xi32, #tpu.memory_space<hbm>> -> memref<128xi32, #tpu.memory_space<hbm>>
          %dma_start3A_68 = tpu.memref_slice %arg3[%add3A_60] : memref<647168xi32, #tpu.memory_space<hbm>> -> memref<128xi32, #tpu.memory_space<hbm>>
          tpu.enqueue_dma source(%dma_start3A_68 : memref<128xi32, #tpu.memory_space<hbm>>) target(%arg6 : memref<128xi32, #tpu.memory_space<vmem>>) target_semaphore(%run_scoped3A : memref<!tpu.dma_semaphore, #tpu.memory_space<semaphore_mem>>)
          %dma_wait3A_69 = tpu.memref_slice %arg3[%add3A_60] : memref<647168xi32, #tpu.memory_space<hbm>> -> memref<128xi32, #tpu.memory_space<hbm>>
          %dma_wait3A_70 = tpu.memref_slice %arg3[%add3A_60] : memref<647168xi32, #tpu.memory_space<hbm>> -> memref<128xi32, #tpu.memory_space<hbm>>
          tpu.wait_dma2 semaphore(%run_scoped3A : memref<!tpu.dma_semaphore, #tpu.memory_space<semaphore_mem>>) src(%dma_wait3A_70 : memref<128xi32, #tpu.memory_space<hbm>>) dst(%arg6 : memref<128xi32, #tpu.memory_space<vmem>>)
          tpu.yield
        }) : () -> ()
        %mul3A_61 = arith.constant 128 : i32
        %mul3A_62 = arith.muli %add3A_57, %mul3A_61 : i32
        %add3A_63 = arith.addi %mul3A_15, %mul3A_62 : i32
        "tpu.region"() ({
          %run_scoped3A = tpu.sem_alloc : memref<!tpu.dma_semaphore, #tpu.memory_space<semaphore_mem>>
          %dma_start3A_67 = tpu.memref_slice %arg4[%add3A_63] : memref<323584xi32, #tpu.memory_space<hbm>> -> memref<128xi32, #tpu.memory_space<hbm>>
          %dma_start3A_68 = tpu.memref_slice %arg4[%add3A_63] : memref<323584xi32, #tpu.memory_space<hbm>> -> memref<128xi32, #tpu.memory_space<hbm>>
          tpu.enqueue_dma source(%dma_start3A_68 : memref<128xi32, #tpu.memory_space<hbm>>) target(%arg7 : memref<128xi32, #tpu.memory_space<vmem>>) target_semaphore(%run_scoped3A : memref<!tpu.dma_semaphore, #tpu.memory_space<semaphore_mem>>)
          %dma_wait3A_69 = tpu.memref_slice %arg4[%add3A_63] : memref<323584xi32, #tpu.memory_space<hbm>> -> memref<128xi32, #tpu.memory_space<hbm>>
          %dma_wait3A_70 = tpu.memref_slice %arg4[%add3A_63] : memref<323584xi32, #tpu.memory_space<hbm>> -> memref<128xi32, #tpu.memory_space<hbm>>
          tpu.wait_dma2 semaphore(%run_scoped3A : memref<!tpu.dma_semaphore, #tpu.memory_space<semaphore_mem>>) src(%dma_wait3A_70 : memref<128xi32, #tpu.memory_space<hbm>>) dst(%arg7 : memref<128xi32, #tpu.memory_space<vmem>>)
          tpu.yield
        }) : () -> ()
        %dma_start3A_64 = arith.constant 0 : i32
        %dma_start3A_65 = arith.constant 0 : i32
        %dma_start3A_66 = tpu.memref_slice %arg2[%dma_start3A_64, %dma_start3A_65] : memref<20224x128xf32, #tpu.memory_space<hbm>> -> memref<20224x128xf32, #tpu.memory_space<hbm>>
        tpu.enqueue_indirect_dma source(%dma_start3A_66 : memref<20224x128xf32, #tpu.memory_space<hbm>>) target(%arg8 : memref<128x128xf32, #tpu.memory_space<vmem>>) offsets(%arg6 : memref<128xi32, #tpu.memory_space<vmem>>) semaphore(%arg9 : memref<!tpu.dma_semaphore, #tpu.memory_space<semaphore_mem>>)
      } else {
      }
      %dma_wait3A_53 = arith.constant 0 : i32
      %dma_wait3A_54 = arith.constant 0 : i32
      %dma_wait3A_55 = tpu.memref_slice %arg2[%dma_wait3A_53, %dma_wait3A_54] : memref<20224x128xf32, #tpu.memory_space<hbm>> -> memref<20224x128xf32, #tpu.memory_space<hbm>>
      tpu.wait_indirect_dma semaphore(%arg13 : memref<!tpu.dma_semaphore, #tpu.memory_space<semaphore_mem>>) src(%dma_wait3A_55 : memref<20224x128xf32, #tpu.memory_space<hbm>>) dst(%arg12 : memref<128x128xf32, #tpu.memory_space<vmem>>)
      "tpu.region"() ({
        %run_scoped3A = tpu.sem_alloc : memref<!tpu.dma_semaphore, #tpu.memory_space<semaphore_mem>>
        %dma_start3A_56 = arith.constant 0 : i32
        %dma_start3A_57 = arith.constant 0 : i32
        %dma_start3A_58 = tpu.memref_slice %arg14[%dma_start3A_56, %dma_start3A_57] : memref<10112x128xf32, #tpu.memory_space<vmem_shared>> -> memref<10112x128xf32, #tpu.memory_space<vmem_shared>>
        tpu.enqueue_indirect_dma source(%arg12 : memref<128x128xf32, #tpu.memory_space<vmem>>) target(%dma_start3A_58 : memref<10112x128xf32, #tpu.memory_space<vmem_shared>>) offsets(%arg11 : memref<128xi32, #tpu.memory_space<vmem>>) semaphore(%run_scoped3A : memref<!tpu.dma_semaphore, #tpu.memory_space<semaphore_mem>>) {add = true}
        %dma_wait3A_59 = arith.constant 0 : i32
        %dma_wait3A_60 = arith.constant 0 : i32
        %dma_wait3A_61 = tpu.memref_slice %arg14[%dma_wait3A_59, %dma_wait3A_60] : memref<10112x128xf32, #tpu.memory_space<vmem_shared>> -> memref<10112x128xf32, #tpu.memory_space<vmem_shared>>
        tpu.wait_indirect_dma semaphore(%run_scoped3A : memref<!tpu.dma_semaphore, #tpu.memory_space<semaphore_mem>>) src(%arg12 : memref<128x128xf32, #tpu.memory_space<vmem>>) dst(%dma_wait3A_61 : memref<10112x128xf32, #tpu.memory_space<vmem_shared>>)
        tpu.yield
      }) : () -> ()
    }
    %scan3A_26 = arith.constant 79 : i32
    %barrier3A_27 = arith.constant 0 : index
    tpu.barrier barrier_id(%barrier3A_27)
    %mul3A_28 = arith.constant 632 : i32
    %mul3A_29 = arith.muli %arg1, %mul3A_28 : i32
    %mul3A_30 = arith.constant 10112 : i32
    %mul3A_31 = arith.muli %arg0, %mul3A_30 : i32
    %mul3A_32 = arith.constant 632 : i32
    %mul3A_33 = arith.muli %arg1, %mul3A_32 : i32
    %add3A_34 = arith.addi %mul3A_31, %mul3A_33 : i32
    "tpu.region"() ({
      %run_scoped3A = tpu.sem_alloc : memref<!tpu.dma_semaphore, #tpu.memory_space<semaphore_mem>>
      %dma_start3A_35 = arith.constant 0 : i32
      %dma_start3A_36 = tpu.memref_slice %arg5[%add3A_34, %dma_start3A_35] : memref<20224x128xf32, #tpu.memory_space<hbm>> -> memref<632x128xf32, #tpu.memory_space<hbm>>
      %dma_start3A_37 = arith.constant 0 : i32
      %dma_start3A_38 = tpu.memref_slice %arg14[%mul3A_29, %dma_start3A_37] : memref<10112x128xf32, #tpu.memory_space<vmem_shared>> -> memref<632x128xf32, #tpu.memory_space<vmem_shared>>
      tpu.enqueue_dma source(%dma_start3A_38 : memref<632x128xf32, #tpu.memory_space<vmem_shared>>) target(%dma_start3A_36 : memref<632x128xf32, #tpu.memory_space<hbm>>) target_semaphore(%run_scoped3A : memref<!tpu.dma_semaphore, #tpu.memory_space<semaphore_mem>>)
      %dma_wait3A = arith.constant 0 : i32
      %dma_wait3A_39 = tpu.memref_slice %arg5[%add3A_34, %dma_wait3A] : memref<20224x128xf32, #tpu.memory_space<hbm>> -> memref<632x128xf32, #tpu.memory_space<hbm>>
      %dma_wait3A_40 = arith.constant 0 : i32
      %dma_wait3A_41 = tpu.memref_slice %arg14[%mul3A_29, %dma_wait3A_40] : memref<10112x128xf32, #tpu.memory_space<vmem_shared>> -> memref<632x128xf32, #tpu.memory_space<vmem_shared>>
      tpu.wait_dma2 semaphore(%run_scoped3A : memref<!tpu.dma_semaphore, #tpu.memory_space<semaphore_mem>>) src(%dma_wait3A_41 : memref<632x128xf32, #tpu.memory_space<vmem_shared>>) dst(%dma_wait3A_39 : memref<632x128xf32, #tpu.memory_space<hbm>>)
      tpu.yield
    }) : () -> ()
    return
  }
}

#map = affine_map<(d0, d1) -> (0, 0)>
#map1 = affine_map<(d0, d1) -> (0)>
module attributes {stable_mosaic.version = 14 : i64} {
  func.func @body(%arg0: i32, %arg1: i32, %arg2: memref<10112x128xf32, #tpu.memory_space<hbm>>, %arg3: memref<323584xi32, #tpu.memory_space<hbm>>, %arg4: memref<323584xi32, #tpu.memory_space<hbm>>, %arg5: memref<632x128xf32, #tpu.memory_space<hbm>>, %arg6: memref<20224x128xf32, #tpu.memory_space<hbm>>, %arg7: memref<128xi32, #tpu.memory_space<vmem>>, %arg8: memref<128xi32, #tpu.memory_space<vmem>>, %arg9: memref<128x128xf32, #tpu.memory_space<vmem>>, %arg10: memref<!tpu.dma_semaphore, #tpu.memory_space<semaphore_mem>>, %arg11: memref<128xi32, #tpu.memory_space<vmem>>, %arg12: memref<128xi32, #tpu.memory_space<vmem>>, %arg13: memref<128x128xf32, #tpu.memory_space<vmem>>, %arg14: memref<!tpu.dma_semaphore, #tpu.memory_space<semaphore_mem>>, %arg15: memref<10112x128xf32, #tpu.memory_space<vmem_shared>>) attributes {dimension_semantics = [#tpu.dimension_semantics<core_parallel>, #tpu.dimension_semantics<subcore_parallel>], iteration_bounds = array<i64: 2, 16>, scalar_prefetch = 0 : i64, scratch_operands = 9 : i64, tpu.core_type = #tpu.core_type<sc_vector_subcore>, window_params = [{transform_indices = #map}, {transform_indices = #map1}, {transform_indices = #map1}, {transform_indices = #map}, {transform_indices = #map}]} {
    %mul3A = arith.constant 16 : i32
    %mul3A_0 = arith.muli %arg0, %mul3A : i32
    %add3A = arith.addi %mul3A_0, %arg1 : i32
    %mul3A_1 = arith.constant 79 : i32
    %mul3A_2 = arith.muli %add3A, %mul3A_1 : i32
    %mul3A_3 = arith.constant 128 : i32
    %mul3A_4 = arith.muli %mul3A_2, %mul3A_3 : i32
    %mul3A_5 = arith.constant 632 : i32
    %mul3A_6 = arith.muli %arg1, %mul3A_5 : i32
    "tpu.region"() ({
      %run_scoped3A = tpu.sem_alloc : memref<!tpu.dma_semaphore, #tpu.memory_space<semaphore_mem>>
      %dma_start3A_35 = arith.constant 0 : i32
      %dma_start3A_36 = tpu.memref_slice %arg15[%mul3A_6, %dma_start3A_35] : memref<10112x128xf32, #tpu.memory_space<vmem_shared>> -> memref<632x128xf32, #tpu.memory_space<vmem_shared>>
      tpu.enqueue_dma source(%arg5 : memref<632x128xf32, #tpu.memory_space<hbm>>) target(%dma_start3A_36 : memref<632x128xf32, #tpu.memory_space<vmem_shared>>) target_semaphore(%run_scoped3A : memref<!tpu.dma_semaphore, #tpu.memory_space<semaphore_mem>>)
      %dma_wait3A_37 = arith.constant 0 : i32
      %dma_wait3A_38 = tpu.memref_slice %arg15[%mul3A_6, %dma_wait3A_37] : memref<10112x128xf32, #tpu.memory_space<vmem_shared>> -> memref<632x128xf32, #tpu.memory_space<vmem_shared>>
      tpu.wait_dma2 semaphore(%run_scoped3A : memref<!tpu.dma_semaphore, #tpu.memory_space<semaphore_mem>>) src(%arg5 : memref<632x128xf32, #tpu.memory_space<hbm>>) dst(%dma_wait3A_38 : memref<632x128xf32, #tpu.memory_space<vmem_shared>>)
      tpu.yield
    }) : () -> ()
    %barrier3A = arith.constant 0 : index
    tpu.barrier barrier_id(%barrier3A)
    %add3A_7 = arith.constant 0 : i32
    %add3A_8 = arith.addi %mul3A_4, %add3A_7 : i32
    "tpu.region"() ({
      %run_scoped3A = tpu.sem_alloc : memref<!tpu.dma_semaphore, #tpu.memory_space<semaphore_mem>>
      %dma_start3A_35 = tpu.memref_slice %arg3[%add3A_8] : memref<323584xi32, #tpu.memory_space<hbm>> -> memref<128xi32, #tpu.memory_space<hbm>>
      %dma_start3A_36 = tpu.memref_slice %arg3[%add3A_8] : memref<323584xi32, #tpu.memory_space<hbm>> -> memref<128xi32, #tpu.memory_space<hbm>>
      tpu.enqueue_dma source(%dma_start3A_36 : memref<128xi32, #tpu.memory_space<hbm>>) target(%arg7 : memref<128xi32, #tpu.memory_space<vmem>>) target_semaphore(%run_scoped3A : memref<!tpu.dma_semaphore, #tpu.memory_space<semaphore_mem>>)
      %dma_wait3A_37 = tpu.memref_slice %arg3[%add3A_8] : memref<323584xi32, #tpu.memory_space<hbm>> -> memref<128xi32, #tpu.memory_space<hbm>>
      %dma_wait3A_38 = tpu.memref_slice %arg3[%add3A_8] : memref<323584xi32, #tpu.memory_space<hbm>> -> memref<128xi32, #tpu.memory_space<hbm>>
      tpu.wait_dma2 semaphore(%run_scoped3A : memref<!tpu.dma_semaphore, #tpu.memory_space<semaphore_mem>>) src(%dma_wait3A_38 : memref<128xi32, #tpu.memory_space<hbm>>) dst(%arg7 : memref<128xi32, #tpu.memory_space<vmem>>)
      tpu.yield
    }) : () -> ()
    %add3A_9 = arith.constant 0 : i32
    %add3A_10 = arith.addi %mul3A_4, %add3A_9 : i32
    "tpu.region"() ({
      %run_scoped3A = tpu.sem_alloc : memref<!tpu.dma_semaphore, #tpu.memory_space<semaphore_mem>>
      %dma_start3A_35 = tpu.memref_slice %arg4[%add3A_10] : memref<323584xi32, #tpu.memory_space<hbm>> -> memref<128xi32, #tpu.memory_space<hbm>>
      %dma_start3A_36 = tpu.memref_slice %arg4[%add3A_10] : memref<323584xi32, #tpu.memory_space<hbm>> -> memref<128xi32, #tpu.memory_space<hbm>>
      tpu.enqueue_dma source(%dma_start3A_36 : memref<128xi32, #tpu.memory_space<hbm>>) target(%arg8 : memref<128xi32, #tpu.memory_space<vmem>>) target_semaphore(%run_scoped3A : memref<!tpu.dma_semaphore, #tpu.memory_space<semaphore_mem>>)
      %dma_wait3A_37 = tpu.memref_slice %arg4[%add3A_10] : memref<323584xi32, #tpu.memory_space<hbm>> -> memref<128xi32, #tpu.memory_space<hbm>>
      %dma_wait3A_38 = tpu.memref_slice %arg4[%add3A_10] : memref<323584xi32, #tpu.memory_space<hbm>> -> memref<128xi32, #tpu.memory_space<hbm>>
      tpu.wait_dma2 semaphore(%run_scoped3A : memref<!tpu.dma_semaphore, #tpu.memory_space<semaphore_mem>>) src(%dma_wait3A_38 : memref<128xi32, #tpu.memory_space<hbm>>) dst(%arg8 : memref<128xi32, #tpu.memory_space<vmem>>)
      tpu.yield
    }) : () -> ()
    %dma_start3A = arith.constant 0 : i32
    %dma_start3A_11 = arith.constant 0 : i32
    %dma_start3A_12 = tpu.memref_slice %arg2[%dma_start3A, %dma_start3A_11] : memref<10112x128xf32, #tpu.memory_space<hbm>> -> memref<10112x128xf32, #tpu.memory_space<hbm>>
    tpu.enqueue_indirect_dma source(%dma_start3A_12 : memref<10112x128xf32, #tpu.memory_space<hbm>>) target(%arg9 : memref<128x128xf32, #tpu.memory_space<vmem>>) offsets(%arg7 : memref<128xi32, #tpu.memory_space<vmem>>) semaphore(%arg10 : memref<!tpu.dma_semaphore, #tpu.memory_space<semaphore_mem>>)
    %scan3A = arith.constant 0 : i32
    %scan3A_13 = arith.constant 0 : i32
    %scan3A_14 = arith.constant 39 : i32
    %scan3A_15 = arith.addi %scan3A_13, %scan3A_14 : i32
    %scan3A_16 = arith.constant 1 : i32
    scf.for %scan3A_35 = %scan3A_13 to %scan3A_15 step %scan3A_16  : i32 {
      %mul3A_36 = arith.constant 2 : i32
      %mul3A_37 = arith.muli %mul3A_36, %scan3A_35 : i32
      %add3A_38 = arith.constant 1 : i32
      %add3A_39 = arith.addi %mul3A_37, %add3A_38 : i32
      %mul3A_40 = arith.constant 128 : i32
      %mul3A_41 = arith.muli %add3A_39, %mul3A_40 : i32
      %add3A_42 = arith.addi %mul3A_4, %mul3A_41 : i32
      "tpu.region"() ({
        %run_scoped3A = tpu.sem_alloc : memref<!tpu.dma_semaphore, #tpu.memory_space<semaphore_mem>>
        %dma_start3A_57 = tpu.memref_slice %arg3[%add3A_42] : memref<323584xi32, #tpu.memory_space<hbm>> -> memref<128xi32, #tpu.memory_space<hbm>>
        %dma_start3A_58 = tpu.memref_slice %arg3[%add3A_42] : memref<323584xi32, #tpu.memory_space<hbm>> -> memref<128xi32, #tpu.memory_space<hbm>>
        tpu.enqueue_dma source(%dma_start3A_58 : memref<128xi32, #tpu.memory_space<hbm>>) target(%arg11 : memref<128xi32, #tpu.memory_space<vmem>>) target_semaphore(%run_scoped3A : memref<!tpu.dma_semaphore, #tpu.memory_space<semaphore_mem>>)
        %dma_wait3A_59 = tpu.memref_slice %arg3[%add3A_42] : memref<323584xi32, #tpu.memory_space<hbm>> -> memref<128xi32, #tpu.memory_space<hbm>>
        %dma_wait3A_60 = tpu.memref_slice %arg3[%add3A_42] : memref<323584xi32, #tpu.memory_space<hbm>> -> memref<128xi32, #tpu.memory_space<hbm>>
        tpu.wait_dma2 semaphore(%run_scoped3A : memref<!tpu.dma_semaphore, #tpu.memory_space<semaphore_mem>>) src(%dma_wait3A_60 : memref<128xi32, #tpu.memory_space<hbm>>) dst(%arg11 : memref<128xi32, #tpu.memory_space<vmem>>)
        tpu.yield
      }) : () -> ()
      %mul3A_43 = arith.constant 128 : i32
      %mul3A_44 = arith.muli %add3A_39, %mul3A_43 : i32
      %add3A_45 = arith.addi %mul3A_4, %mul3A_44 : i32
      "tpu.region"() ({
        %run_scoped3A = tpu.sem_alloc : memref<!tpu.dma_semaphore, #tpu.memory_space<semaphore_mem>>
        %dma_start3A_57 = tpu.memref_slice %arg4[%add3A_45] : memref<323584xi32, #tpu.memory_space<hbm>> -> memref<128xi32, #tpu.memory_space<hbm>>
        %dma_start3A_58 = tpu.memref_slice %arg4[%add3A_45] : memref<323584xi32, #tpu.memory_space<hbm>> -> memref<128xi32, #tpu.memory_space<hbm>>
        tpu.enqueue_dma source(%dma_start3A_58 : memref<128xi32, #tpu.memory_space<hbm>>) target(%arg12 : memref<128xi32, #tpu.memory_space<vmem>>) target_semaphore(%run_scoped3A : memref<!tpu.dma_semaphore, #tpu.memory_space<semaphore_mem>>)
        %dma_wait3A_59 = tpu.memref_slice %arg4[%add3A_45] : memref<323584xi32, #tpu.memory_space<hbm>> -> memref<128xi32, #tpu.memory_space<hbm>>
        %dma_wait3A_60 = tpu.memref_slice %arg4[%add3A_45] : memref<323584xi32, #tpu.memory_space<hbm>> -> memref<128xi32, #tpu.memory_space<hbm>>
        tpu.wait_dma2 semaphore(%run_scoped3A : memref<!tpu.dma_semaphore, #tpu.memory_space<semaphore_mem>>) src(%dma_wait3A_60 : memref<128xi32, #tpu.memory_space<hbm>>) dst(%arg12 : memref<128xi32, #tpu.memory_space<vmem>>)
        tpu.yield
      }) : () -> ()
      %dma_start3A_46 = arith.constant 0 : i32
      %dma_start3A_47 = arith.constant 0 : i32
      %dma_start3A_48 = tpu.memref_slice %arg2[%dma_start3A_46, %dma_start3A_47] : memref<10112x128xf32, #tpu.memory_space<hbm>> -> memref<10112x128xf32, #tpu.memory_space<hbm>>
      tpu.enqueue_indirect_dma source(%dma_start3A_48 : memref<10112x128xf32, #tpu.memory_space<hbm>>) target(%arg13 : memref<128x128xf32, #tpu.memory_space<vmem>>) offsets(%arg11 : memref<128xi32, #tpu.memory_space<vmem>>) semaphore(%arg14 : memref<!tpu.dma_semaphore, #tpu.memory_space<semaphore_mem>>)
      %dma_wait3A_49 = arith.constant 0 : i32
      %dma_wait3A_50 = arith.constant 0 : i32
      %dma_wait3A_51 = tpu.memref_slice %arg2[%dma_wait3A_49, %dma_wait3A_50] : memref<10112x128xf32, #tpu.memory_space<hbm>> -> memref<10112x128xf32, #tpu.memory_space<hbm>>
      tpu.wait_indirect_dma semaphore(%arg10 : memref<!tpu.dma_semaphore, #tpu.memory_space<semaphore_mem>>) src(%dma_wait3A_51 : memref<10112x128xf32, #tpu.memory_space<hbm>>) dst(%arg9 : memref<128x128xf32, #tpu.memory_space<vmem>>)
      "tpu.region"() ({
        %run_scoped3A = tpu.sem_alloc : memref<!tpu.dma_semaphore, #tpu.memory_space<semaphore_mem>>
        %dma_start3A_57 = arith.constant 0 : i32
        %dma_start3A_58 = arith.constant 0 : i32
        %dma_start3A_59 = tpu.memref_slice %arg15[%dma_start3A_57, %dma_start3A_58] : memref<10112x128xf32, #tpu.memory_space<vmem_shared>> -> memref<10112x128xf32, #tpu.memory_space<vmem_shared>>
        tpu.enqueue_indirect_dma source(%arg9 : memref<128x128xf32, #tpu.memory_space<vmem>>) target(%dma_start3A_59 : memref<10112x128xf32, #tpu.memory_space<vmem_shared>>) offsets(%arg8 : memref<128xi32, #tpu.memory_space<vmem>>) semaphore(%run_scoped3A : memref<!tpu.dma_semaphore, #tpu.memory_space<semaphore_mem>>) {add = true}
        %dma_wait3A_60 = arith.constant 0 : i32
        %dma_wait3A_61 = arith.constant 0 : i32
        %dma_wait3A_62 = tpu.memref_slice %arg15[%dma_wait3A_60, %dma_wait3A_61] : memref<10112x128xf32, #tpu.memory_space<vmem_shared>> -> memref<10112x128xf32, #tpu.memory_space<vmem_shared>>
        tpu.wait_indirect_dma semaphore(%run_scoped3A : memref<!tpu.dma_semaphore, #tpu.memory_space<semaphore_mem>>) src(%arg9 : memref<128x128xf32, #tpu.memory_space<vmem>>) dst(%dma_wait3A_62 : memref<10112x128xf32, #tpu.memory_space<vmem_shared>>)
        tpu.yield
      }) : () -> ()
      %lt3A = arith.constant 38 : i32
      %lt3A_52 = arith.cmpi slt, %scan3A_35, %lt3A : i32
      %convert_element_type3A = arith.extui %lt3A_52 : i1 to i32
      %cond3A = arith.constant 0 : i32
      %cond3A_53 = arith.cmpi ne, %convert_element_type3A, %cond3A : i32
      scf.if %cond3A_53 {
        %add3A_57 = arith.constant 2 : i32
        %add3A_58 = arith.addi %mul3A_37, %add3A_57 : i32
        %mul3A_59 = arith.constant 128 : i32
        %mul3A_60 = arith.muli %add3A_58, %mul3A_59 : i32
        %add3A_61 = arith.addi %mul3A_4, %mul3A_60 : i32
        "tpu.region"() ({
          %run_scoped3A = tpu.sem_alloc : memref<!tpu.dma_semaphore, #tpu.memory_space<semaphore_mem>>
          %dma_start3A_68 = tpu.memref_slice %arg3[%add3A_61] : memref<323584xi32, #tpu.memory_space<hbm>> -> memref<128xi32, #tpu.memory_space<hbm>>
          %dma_start3A_69 = tpu.memref_slice %arg3[%add3A_61] : memref<323584xi32, #tpu.memory_space<hbm>> -> memref<128xi32, #tpu.memory_space<hbm>>
          tpu.enqueue_dma source(%dma_start3A_69 : memref<128xi32, #tpu.memory_space<hbm>>) target(%arg7 : memref<128xi32, #tpu.memory_space<vmem>>) target_semaphore(%run_scoped3A : memref<!tpu.dma_semaphore, #tpu.memory_space<semaphore_mem>>)
          %dma_wait3A_70 = tpu.memref_slice %arg3[%add3A_61] : memref<323584xi32, #tpu.memory_space<hbm>> -> memref<128xi32, #tpu.memory_space<hbm>>
          %dma_wait3A_71 = tpu.memref_slice %arg3[%add3A_61] : memref<323584xi32, #tpu.memory_space<hbm>> -> memref<128xi32, #tpu.memory_space<hbm>>
          tpu.wait_dma2 semaphore(%run_scoped3A : memref<!tpu.dma_semaphore, #tpu.memory_space<semaphore_mem>>) src(%dma_wait3A_71 : memref<128xi32, #tpu.memory_space<hbm>>) dst(%arg7 : memref<128xi32, #tpu.memory_space<vmem>>)
          tpu.yield
        }) : () -> ()
        %mul3A_62 = arith.constant 128 : i32
        %mul3A_63 = arith.muli %add3A_58, %mul3A_62 : i32
        %add3A_64 = arith.addi %mul3A_4, %mul3A_63 : i32
        "tpu.region"() ({
          %run_scoped3A = tpu.sem_alloc : memref<!tpu.dma_semaphore, #tpu.memory_space<semaphore_mem>>
          %dma_start3A_68 = tpu.memref_slice %arg4[%add3A_64] : memref<323584xi32, #tpu.memory_space<hbm>> -> memref<128xi32, #tpu.memory_space<hbm>>
          %dma_start3A_69 = tpu.memref_slice %arg4[%add3A_64] : memref<323584xi32, #tpu.memory_space<hbm>> -> memref<128xi32, #tpu.memory_space<hbm>>
          tpu.enqueue_dma source(%dma_start3A_69 : memref<128xi32, #tpu.memory_space<hbm>>) target(%arg8 : memref<128xi32, #tpu.memory_space<vmem>>) target_semaphore(%run_scoped3A : memref<!tpu.dma_semaphore, #tpu.memory_space<semaphore_mem>>)
          %dma_wait3A_70 = tpu.memref_slice %arg4[%add3A_64] : memref<323584xi32, #tpu.memory_space<hbm>> -> memref<128xi32, #tpu.memory_space<hbm>>
          %dma_wait3A_71 = tpu.memref_slice %arg4[%add3A_64] : memref<323584xi32, #tpu.memory_space<hbm>> -> memref<128xi32, #tpu.memory_space<hbm>>
          tpu.wait_dma2 semaphore(%run_scoped3A : memref<!tpu.dma_semaphore, #tpu.memory_space<semaphore_mem>>) src(%dma_wait3A_71 : memref<128xi32, #tpu.memory_space<hbm>>) dst(%arg8 : memref<128xi32, #tpu.memory_space<vmem>>)
          tpu.yield
        }) : () -> ()
        %dma_start3A_65 = arith.constant 0 : i32
        %dma_start3A_66 = arith.constant 0 : i32
        %dma_start3A_67 = tpu.memref_slice %arg2[%dma_start3A_65, %dma_start3A_66] : memref<10112x128xf32, #tpu.memory_space<hbm>> -> memref<10112x128xf32, #tpu.memory_space<hbm>>
        tpu.enqueue_indirect_dma source(%dma_start3A_67 : memref<10112x128xf32, #tpu.memory_space<hbm>>) target(%arg9 : memref<128x128xf32, #tpu.memory_space<vmem>>) offsets(%arg7 : memref<128xi32, #tpu.memory_space<vmem>>) semaphore(%arg10 : memref<!tpu.dma_semaphore, #tpu.memory_space<semaphore_mem>>)
      } else {
      }
      %dma_wait3A_54 = arith.constant 0 : i32
      %dma_wait3A_55 = arith.constant 0 : i32
      %dma_wait3A_56 = tpu.memref_slice %arg2[%dma_wait3A_54, %dma_wait3A_55] : memref<10112x128xf32, #tpu.memory_space<hbm>> -> memref<10112x128xf32, #tpu.memory_space<hbm>>
      tpu.wait_indirect_dma semaphore(%arg14 : memref<!tpu.dma_semaphore, #tpu.memory_space<semaphore_mem>>) src(%dma_wait3A_56 : memref<10112x128xf32, #tpu.memory_space<hbm>>) dst(%arg13 : memref<128x128xf32, #tpu.memory_space<vmem>>)
      "tpu.region"() ({
        %run_scoped3A = tpu.sem_alloc : memref<!tpu.dma_semaphore, #tpu.memory_space<semaphore_mem>>
        %dma_start3A_57 = arith.constant 0 : i32
        %dma_start3A_58 = arith.constant 0 : i32
        %dma_start3A_59 = tpu.memref_slice %arg15[%dma_start3A_57, %dma_start3A_58] : memref<10112x128xf32, #tpu.memory_space<vmem_shared>> -> memref<10112x128xf32, #tpu.memory_space<vmem_shared>>
        tpu.enqueue_indirect_dma source(%arg13 : memref<128x128xf32, #tpu.memory_space<vmem>>) target(%dma_start3A_59 : memref<10112x128xf32, #tpu.memory_space<vmem_shared>>) offsets(%arg12 : memref<128xi32, #tpu.memory_space<vmem>>) semaphore(%run_scoped3A : memref<!tpu.dma_semaphore, #tpu.memory_space<semaphore_mem>>) {add = true}
        %dma_wait3A_60 = arith.constant 0 : i32
        %dma_wait3A_61 = arith.constant 0 : i32
        %dma_wait3A_62 = tpu.memref_slice %arg15[%dma_wait3A_60, %dma_wait3A_61] : memref<10112x128xf32, #tpu.memory_space<vmem_shared>> -> memref<10112x128xf32, #tpu.memory_space<vmem_shared>>
        tpu.wait_indirect_dma semaphore(%run_scoped3A : memref<!tpu.dma_semaphore, #tpu.memory_space<semaphore_mem>>) src(%arg13 : memref<128x128xf32, #tpu.memory_space<vmem>>) dst(%dma_wait3A_62 : memref<10112x128xf32, #tpu.memory_space<vmem_shared>>)
        tpu.yield
      }) : () -> ()
    }
    %scan3A_17 = arith.constant 39 : i32
    %add3A_18 = arith.constant 9984 : i32
    %add3A_19 = arith.addi %mul3A_4, %add3A_18 : i32
    "tpu.region"() ({
      %run_scoped3A = tpu.sem_alloc : memref<!tpu.dma_semaphore, #tpu.memory_space<semaphore_mem>>
      %dma_start3A_35 = tpu.memref_slice %arg3[%add3A_19] : memref<323584xi32, #tpu.memory_space<hbm>> -> memref<128xi32, #tpu.memory_space<hbm>>
      %dma_start3A_36 = tpu.memref_slice %arg3[%add3A_19] : memref<323584xi32, #tpu.memory_space<hbm>> -> memref<128xi32, #tpu.memory_space<hbm>>
      tpu.enqueue_dma source(%dma_start3A_36 : memref<128xi32, #tpu.memory_space<hbm>>) target(%arg7 : memref<128xi32, #tpu.memory_space<vmem>>) target_semaphore(%run_scoped3A : memref<!tpu.dma_semaphore, #tpu.memory_space<semaphore_mem>>)
      %dma_wait3A_37 = tpu.memref_slice %arg3[%add3A_19] : memref<323584xi32, #tpu.memory_space<hbm>> -> memref<128xi32, #tpu.memory_space<hbm>>
      %dma_wait3A_38 = tpu.memref_slice %arg3[%add3A_19] : memref<323584xi32, #tpu.memory_space<hbm>> -> memref<128xi32, #tpu.memory_space<hbm>>
      tpu.wait_dma2 semaphore(%run_scoped3A : memref<!tpu.dma_semaphore, #tpu.memory_space<semaphore_mem>>) src(%dma_wait3A_38 : memref<128xi32, #tpu.memory_space<hbm>>) dst(%arg7 : memref<128xi32, #tpu.memory_space<vmem>>)
      tpu.yield
    }) : () -> ()
    %add3A_20 = arith.constant 9984 : i32
    %add3A_21 = arith.addi %mul3A_4, %add3A_20 : i32
    "tpu.region"() ({
      %run_scoped3A = tpu.sem_alloc : memref<!tpu.dma_semaphore, #tpu.memory_space<semaphore_mem>>
      %dma_start3A_35 = tpu.memref_slice %arg4[%add3A_21] : memref<323584xi32, #tpu.memory_space<hbm>> -> memref<128xi32, #tpu.memory_space<hbm>>
      %dma_start3A_36 = tpu.memref_slice %arg4[%add3A_21] : memref<323584xi32, #tpu.memory_space<hbm>> -> memref<128xi32, #tpu.memory_space<hbm>>
      tpu.enqueue_dma source(%dma_start3A_36 : memref<128xi32, #tpu.memory_space<hbm>>) target(%arg8 : memref<128xi32, #tpu.memory_space<vmem>>) target_semaphore(%run_scoped3A : memref<!tpu.dma_semaphore, #tpu.memory_space<semaphore_mem>>)
      %dma_wait3A_37 = tpu.memref_slice %arg4[%add3A_21] : memref<323584xi32, #tpu.memory_space<hbm>> -> memref<128xi32, #tpu.memory_space<hbm>>
      %dma_wait3A_38 = tpu.memref_slice %arg4[%add3A_21] : memref<323584xi32, #tpu.memory_space<hbm>> -> memref<128xi32, #tpu.memory_space<hbm>>
      tpu.wait_dma2 semaphore(%run_scoped3A : memref<!tpu.dma_semaphore, #tpu.memory_space<semaphore_mem>>) src(%dma_wait3A_38 : memref<128xi32, #tpu.memory_space<hbm>>) dst(%arg8 : memref<128xi32, #tpu.memory_space<vmem>>)
      tpu.yield
    }) : () -> ()
    %dma_start3A_22 = arith.constant 0 : i32
    %dma_start3A_23 = arith.constant 0 : i32
    %dma_start3A_24 = tpu.memref_slice %arg2[%dma_start3A_22, %dma_start3A_23] : memref<10112x128xf32, #tpu.memory_space<hbm>> -> memref<10112x128xf32, #tpu.memory_space<hbm>>
    tpu.enqueue_indirect_dma source(%dma_start3A_24 : memref<10112x128xf32, #tpu.memory_space<hbm>>) target(%arg9 : memref<128x128xf32, #tpu.memory_space<vmem>>) offsets(%arg7 : memref<128xi32, #tpu.memory_space<vmem>>) semaphore(%arg10 : memref<!tpu.dma_semaphore, #tpu.memory_space<semaphore_mem>>)
    %dma_wait3A = arith.constant 0 : i32
    %dma_wait3A_25 = arith.constant 0 : i32
    %dma_wait3A_26 = tpu.memref_slice %arg2[%dma_wait3A, %dma_wait3A_25] : memref<10112x128xf32, #tpu.memory_space<hbm>> -> memref<10112x128xf32, #tpu.memory_space<hbm>>
    tpu.wait_indirect_dma semaphore(%arg10 : memref<!tpu.dma_semaphore, #tpu.memory_space<semaphore_mem>>) src(%dma_wait3A_26 : memref<10112x128xf32, #tpu.memory_space<hbm>>) dst(%arg9 : memref<128x128xf32, #tpu.memory_space<vmem>>)
    "tpu.region"() ({
      %run_scoped3A = tpu.sem_alloc : memref<!tpu.dma_semaphore, #tpu.memory_space<semaphore_mem>>
      %dma_start3A_35 = arith.constant 0 : i32
      %dma_start3A_36 = arith.constant 0 : i32
      %dma_start3A_37 = tpu.memref_slice %arg15[%dma_start3A_35, %dma_start3A_36] : memref<10112x128xf32, #tpu.memory_space<vmem_shared>> -> memref<10112x128xf32, #tpu.memory_space<vmem_shared>>
      tpu.enqueue_indirect_dma source(%arg9 : memref<128x128xf32, #tpu.memory_space<vmem>>) target(%dma_start3A_37 : memref<10112x128xf32, #tpu.memory_space<vmem_shared>>) offsets(%arg8 : memref<128xi32, #tpu.memory_space<vmem>>) semaphore(%run_scoped3A : memref<!tpu.dma_semaphore, #tpu.memory_space<semaphore_mem>>) {add = true}
      %dma_wait3A_38 = arith.constant 0 : i32
      %dma_wait3A_39 = arith.constant 0 : i32
      %dma_wait3A_40 = tpu.memref_slice %arg15[%dma_wait3A_38, %dma_wait3A_39] : memref<10112x128xf32, #tpu.memory_space<vmem_shared>> -> memref<10112x128xf32, #tpu.memory_space<vmem_shared>>
      tpu.wait_indirect_dma semaphore(%run_scoped3A : memref<!tpu.dma_semaphore, #tpu.memory_space<semaphore_mem>>) src(%arg9 : memref<128x128xf32, #tpu.memory_space<vmem>>) dst(%dma_wait3A_40 : memref<10112x128xf32, #tpu.memory_space<vmem_shared>>)
      tpu.yield
    }) : () -> ()
    %barrier3A_27 = arith.constant 0 : index
    tpu.barrier barrier_id(%barrier3A_27)
    %mul3A_28 = arith.constant 632 : i32
    %mul3A_29 = arith.muli %arg1, %mul3A_28 : i32
    %mul3A_30 = arith.constant 10112 : i32
    %mul3A_31 = arith.muli %arg0, %mul3A_30 : i32
    %mul3A_32 = arith.constant 632 : i32
    %mul3A_33 = arith.muli %arg1, %mul3A_32 : i32
    %add3A_34 = arith.addi %mul3A_31, %mul3A_33 : i32
    "tpu.region"() ({
      %run_scoped3A = tpu.sem_alloc : memref<!tpu.dma_semaphore, #tpu.memory_space<semaphore_mem>>
      %dma_start3A_35 = arith.constant 0 : i32
      %dma_start3A_36 = tpu.memref_slice %arg6[%add3A_34, %dma_start3A_35] : memref<20224x128xf32, #tpu.memory_space<hbm>> -> memref<632x128xf32, #tpu.memory_space<hbm>>
      %dma_start3A_37 = arith.constant 0 : i32
      %dma_start3A_38 = tpu.memref_slice %arg15[%mul3A_29, %dma_start3A_37] : memref<10112x128xf32, #tpu.memory_space<vmem_shared>> -> memref<632x128xf32, #tpu.memory_space<vmem_shared>>
      tpu.enqueue_dma source(%dma_start3A_38 : memref<632x128xf32, #tpu.memory_space<vmem_shared>>) target(%dma_start3A_36 : memref<632x128xf32, #tpu.memory_space<hbm>>) target_semaphore(%run_scoped3A : memref<!tpu.dma_semaphore, #tpu.memory_space<semaphore_mem>>)
      %dma_wait3A_39 = arith.constant 0 : i32
      %dma_wait3A_40 = tpu.memref_slice %arg6[%add3A_34, %dma_wait3A_39] : memref<20224x128xf32, #tpu.memory_space<hbm>> -> memref<632x128xf32, #tpu.memory_space<hbm>>
      %dma_wait3A_41 = arith.constant 0 : i32
      %dma_wait3A_42 = tpu.memref_slice %arg15[%mul3A_29, %dma_wait3A_41] : memref<10112x128xf32, #tpu.memory_space<vmem_shared>> -> memref<632x128xf32, #tpu.memory_space<vmem_shared>>
      tpu.wait_dma2 semaphore(%run_scoped3A : memref<!tpu.dma_semaphore, #tpu.memory_space<semaphore_mem>>) src(%dma_wait3A_42 : memref<632x128xf32, #tpu.memory_space<vmem_shared>>) dst(%dma_wait3A_40 : memref<632x128xf32, #tpu.memory_space<hbm>>)
      tpu.yield
    }) : () -> ()
    return
  }
}

#map = affine_map<(d0, d1) -> (0, 0)>
#map1 = affine_map<(d0, d1) -> (0)>
module attributes {stable_mosaic.version = 14 : i64} {
  func.func @body(%arg0: i32, %arg1: i32, %arg2: memref<20224x128xf32, #tpu.memory_space<hbm>>, %arg3: memref<647168xi32, #tpu.memory_space<hbm>>, %arg4: memref<323584xi32, #tpu.memory_space<hbm>>, %arg5: memref<20224x128xf32, #tpu.memory_space<hbm>>, %arg6: memref<128xi32, #tpu.memory_space<vmem>>, %arg7: memref<128xi32, #tpu.memory_space<vmem>>, %arg8: memref<128x128xf32, #tpu.memory_space<vmem>>, %arg9: memref<!tpu.dma_semaphore, #tpu.memory_space<semaphore_mem>>, %arg10: memref<128xi32, #tpu.memory_space<vmem>>, %arg11: memref<128xi32, #tpu.memory_space<vmem>>, %arg12: memref<128x128xf32, #tpu.memory_space<vmem>>, %arg13: memref<!tpu.dma_semaphore, #tpu.memory_space<semaphore_mem>>, %arg14: memref<10112x128xf32, #tpu.memory_space<vmem_shared>>) attributes {dimension_semantics = [#tpu.dimension_semantics<core_parallel>, #tpu.dimension_semantics<subcore_parallel>], iteration_bounds = array<i64: 2, 16>, scalar_prefetch = 0 : i64, scratch_operands = 9 : i64, tpu.core_type = #tpu.core_type<sc_vector_subcore>, window_params = [{transform_indices = #map}, {transform_indices = #map1}, {transform_indices = #map1}, {transform_indices = #map}]} {
    %mul3A = arith.constant 10112 : i32
    %mul3A_0 = arith.muli %arg0, %mul3A : i32
    %mul3A_1 = arith.constant 632 : i32
    %mul3A_2 = arith.muli %arg1, %mul3A_1 : i32
    %add3A = arith.addi %mul3A_0, %mul3A_2 : i32
    %mul3A_3 = arith.constant 632 : i32
    %mul3A_4 = arith.muli %arg1, %mul3A_3 : i32
    "tpu.region"() ({
      %run_scoped3A = tpu.sem_alloc : memref<!tpu.dma_semaphore, #tpu.memory_space<semaphore_mem>>
      %dma_start3A_35 = arith.constant 0 : i32
      %dma_start3A_36 = tpu.memref_slice %arg14[%mul3A_4, %dma_start3A_35] : memref<10112x128xf32, #tpu.memory_space<vmem_shared>> -> memref<632x128xf32, #tpu.memory_space<vmem_shared>>
      %dma_start3A_37 = arith.constant 0 : i32
      %dma_start3A_38 = tpu.memref_slice %arg2[%add3A, %dma_start3A_37] : memref<20224x128xf32, #tpu.memory_space<hbm>> -> memref<632x128xf32, #tpu.memory_space<hbm>>
      tpu.enqueue_dma source(%dma_start3A_38 : memref<632x128xf32, #tpu.memory_space<hbm>>) target(%dma_start3A_36 : memref<632x128xf32, #tpu.memory_space<vmem_shared>>) target_semaphore(%run_scoped3A : memref<!tpu.dma_semaphore, #tpu.memory_space<semaphore_mem>>)
      %dma_wait3A = arith.constant 0 : i32
      %dma_wait3A_39 = tpu.memref_slice %arg14[%mul3A_4, %dma_wait3A] : memref<10112x128xf32, #tpu.memory_space<vmem_shared>> -> memref<632x128xf32, #tpu.memory_space<vmem_shared>>
      %dma_wait3A_40 = arith.constant 0 : i32
      %dma_wait3A_41 = tpu.memref_slice %arg2[%add3A, %dma_wait3A_40] : memref<20224x128xf32, #tpu.memory_space<hbm>> -> memref<632x128xf32, #tpu.memory_space<hbm>>
      tpu.wait_dma2 semaphore(%run_scoped3A : memref<!tpu.dma_semaphore, #tpu.memory_space<semaphore_mem>>) src(%dma_wait3A_41 : memref<632x128xf32, #tpu.memory_space<hbm>>) dst(%dma_wait3A_39 : memref<632x128xf32, #tpu.memory_space<vmem_shared>>)
      tpu.yield
    }) : () -> ()
    %barrier3A = arith.constant 0 : index
    tpu.barrier barrier_id(%barrier3A)
    %mul3A_5 = arith.constant 323584 : i32
    %mul3A_6 = arith.muli %arg0, %mul3A_5 : i32
    %mul3A_7 = arith.constant 158 : i32
    %mul3A_8 = arith.muli %arg1, %mul3A_7 : i32
    %mul3A_9 = arith.constant 128 : i32
    %mul3A_10 = arith.muli %mul3A_8, %mul3A_9 : i32
    %add3A_11 = arith.addi %mul3A_6, %mul3A_10 : i32
    %mul3A_12 = arith.constant 158 : i32
    %mul3A_13 = arith.muli %arg1, %mul3A_12 : i32
    %mul3A_14 = arith.constant 128 : i32
    %mul3A_15 = arith.muli %mul3A_13, %mul3A_14 : i32
    %add3A_16 = arith.constant 0 : i32
    %add3A_17 = arith.addi %add3A_11, %add3A_16 : i32
    "tpu.region"() ({
      %run_scoped3A = tpu.sem_alloc : memref<!tpu.dma_semaphore, #tpu.memory_space<semaphore_mem>>
      %dma_start3A_35 = tpu.memref_slice %arg3[%add3A_17] : memref<647168xi32, #tpu.memory_space<hbm>> -> memref<128xi32, #tpu.memory_space<hbm>>
      %dma_start3A_36 = tpu.memref_slice %arg3[%add3A_17] : memref<647168xi32, #tpu.memory_space<hbm>> -> memref<128xi32, #tpu.memory_space<hbm>>
      tpu.enqueue_dma source(%dma_start3A_36 : memref<128xi32, #tpu.memory_space<hbm>>) target(%arg6 : memref<128xi32, #tpu.memory_space<vmem>>) target_semaphore(%run_scoped3A : memref<!tpu.dma_semaphore, #tpu.memory_space<semaphore_mem>>)
      %dma_wait3A = tpu.memref_slice %arg3[%add3A_17] : memref<647168xi32, #tpu.memory_space<hbm>> -> memref<128xi32, #tpu.memory_space<hbm>>
      %dma_wait3A_37 = tpu.memref_slice %arg3[%add3A_17] : memref<647168xi32, #tpu.memory_space<hbm>> -> memref<128xi32, #tpu.memory_space<hbm>>
      tpu.wait_dma2 semaphore(%run_scoped3A : memref<!tpu.dma_semaphore, #tpu.memory_space<semaphore_mem>>) src(%dma_wait3A_37 : memref<128xi32, #tpu.memory_space<hbm>>) dst(%arg6 : memref<128xi32, #tpu.memory_space<vmem>>)
      tpu.yield
    }) : () -> ()
    %add3A_18 = arith.constant 0 : i32
    %add3A_19 = arith.addi %mul3A_15, %add3A_18 : i32
    "tpu.region"() ({
      %run_scoped3A = tpu.sem_alloc : memref<!tpu.dma_semaphore, #tpu.memory_space<semaphore_mem>>
      %dma_start3A_35 = tpu.memref_slice %arg4[%add3A_19] : memref<323584xi32, #tpu.memory_space<hbm>> -> memref<128xi32, #tpu.memory_space<hbm>>
      %dma_start3A_36 = tpu.memref_slice %arg4[%add3A_19] : memref<323584xi32, #tpu.memory_space<hbm>> -> memref<128xi32, #tpu.memory_space<hbm>>
      tpu.enqueue_dma source(%dma_start3A_36 : memref<128xi32, #tpu.memory_space<hbm>>) target(%arg7 : memref<128xi32, #tpu.memory_space<vmem>>) target_semaphore(%run_scoped3A : memref<!tpu.dma_semaphore, #tpu.memory_space<semaphore_mem>>)
      %dma_wait3A = tpu.memref_slice %arg4[%add3A_19] : memref<323584xi32, #tpu.memory_space<hbm>> -> memref<128xi32, #tpu.memory_space<hbm>>
      %dma_wait3A_37 = tpu.memref_slice %arg4[%add3A_19] : memref<323584xi32, #tpu.memory_space<hbm>> -> memref<128xi32, #tpu.memory_space<hbm>>
      tpu.wait_dma2 semaphore(%run_scoped3A : memref<!tpu.dma_semaphore, #tpu.memory_space<semaphore_mem>>) src(%dma_wait3A_37 : memref<128xi32, #tpu.memory_space<hbm>>) dst(%arg7 : memref<128xi32, #tpu.memory_space<vmem>>)
      tpu.yield
    }) : () -> ()
    %dma_start3A = arith.constant 0 : i32
    %dma_start3A_20 = arith.constant 0 : i32
    %dma_start3A_21 = tpu.memref_slice %arg2[%dma_start3A, %dma_start3A_20] : memref<20224x128xf32, #tpu.memory_space<hbm>> -> memref<20224x128xf32, #tpu.memory_space<hbm>>
    tpu.enqueue_indirect_dma source(%dma_start3A_21 : memref<20224x128xf32, #tpu.memory_space<hbm>>) target(%arg8 : memref<128x128xf32, #tpu.memory_space<vmem>>) offsets(%arg6 : memref<128xi32, #tpu.memory_space<vmem>>) semaphore(%arg9 : memref<!tpu.dma_semaphore, #tpu.memory_space<semaphore_mem>>)
    %scan3A = arith.constant 0 : i32
    %scan3A_22 = arith.constant 0 : i32
    %scan3A_23 = arith.constant 79 : i32
    %scan3A_24 = arith.addi %scan3A_22, %scan3A_23 : i32
    %scan3A_25 = arith.constant 1 : i32
    scf.for %scan3A_35 = %scan3A_22 to %scan3A_24 step %scan3A_25  : i32 {
      %mul3A_36 = arith.constant 2 : i32
      %mul3A_37 = arith.muli %mul3A_36, %scan3A_35 : i32
      %add3A_38 = arith.constant 1 : i32
      %add3A_39 = arith.addi %mul3A_37, %add3A_38 : i32
      %mul3A_40 = arith.constant 128 : i32
      %mul3A_41 = arith.muli %add3A_39, %mul3A_40 : i32
      %add3A_42 = arith.addi %add3A_11, %mul3A_41 : i32
      "tpu.region"() ({
        %run_scoped3A = tpu.sem_alloc : memref<!tpu.dma_semaphore, #tpu.memory_space<semaphore_mem>>
        %dma_start3A_56 = tpu.memref_slice %arg3[%add3A_42] : memref<647168xi32, #tpu.memory_space<hbm>> -> memref<128xi32, #tpu.memory_space<hbm>>
        %dma_start3A_57 = tpu.memref_slice %arg3[%add3A_42] : memref<647168xi32, #tpu.memory_space<hbm>> -> memref<128xi32, #tpu.memory_space<hbm>>
        tpu.enqueue_dma source(%dma_start3A_57 : memref<128xi32, #tpu.memory_space<hbm>>) target(%arg10 : memref<128xi32, #tpu.memory_space<vmem>>) target_semaphore(%run_scoped3A : memref<!tpu.dma_semaphore, #tpu.memory_space<semaphore_mem>>)
        %dma_wait3A_58 = tpu.memref_slice %arg3[%add3A_42] : memref<647168xi32, #tpu.memory_space<hbm>> -> memref<128xi32, #tpu.memory_space<hbm>>
        %dma_wait3A_59 = tpu.memref_slice %arg3[%add3A_42] : memref<647168xi32, #tpu.memory_space<hbm>> -> memref<128xi32, #tpu.memory_space<hbm>>
        tpu.wait_dma2 semaphore(%run_scoped3A : memref<!tpu.dma_semaphore, #tpu.memory_space<semaphore_mem>>) src(%dma_wait3A_59 : memref<128xi32, #tpu.memory_space<hbm>>) dst(%arg10 : memref<128xi32, #tpu.memory_space<vmem>>)
        tpu.yield
      }) : () -> ()
      %mul3A_43 = arith.constant 128 : i32
      %mul3A_44 = arith.muli %add3A_39, %mul3A_43 : i32
      %add3A_45 = arith.addi %mul3A_15, %mul3A_44 : i32
      "tpu.region"() ({
        %run_scoped3A = tpu.sem_alloc : memref<!tpu.dma_semaphore, #tpu.memory_space<semaphore_mem>>
        %dma_start3A_56 = tpu.memref_slice %arg4[%add3A_45] : memref<323584xi32, #tpu.memory_space<hbm>> -> memref<128xi32, #tpu.memory_space<hbm>>
        %dma_start3A_57 = tpu.memref_slice %arg4[%add3A_45] : memref<323584xi32, #tpu.memory_space<hbm>> -> memref<128xi32, #tpu.memory_space<hbm>>
        tpu.enqueue_dma source(%dma_start3A_57 : memref<128xi32, #tpu.memory_space<hbm>>) target(%arg11 : memref<128xi32, #tpu.memory_space<vmem>>) target_semaphore(%run_scoped3A : memref<!tpu.dma_semaphore, #tpu.memory_space<semaphore_mem>>)
        %dma_wait3A_58 = tpu.memref_slice %arg4[%add3A_45] : memref<323584xi32, #tpu.memory_space<hbm>> -> memref<128xi32, #tpu.memory_space<hbm>>
        %dma_wait3A_59 = tpu.memref_slice %arg4[%add3A_45] : memref<323584xi32, #tpu.memory_space<hbm>> -> memref<128xi32, #tpu.memory_space<hbm>>
        tpu.wait_dma2 semaphore(%run_scoped3A : memref<!tpu.dma_semaphore, #tpu.memory_space<semaphore_mem>>) src(%dma_wait3A_59 : memref<128xi32, #tpu.memory_space<hbm>>) dst(%arg11 : memref<128xi32, #tpu.memory_space<vmem>>)
        tpu.yield
      }) : () -> ()
      %dma_start3A_46 = arith.constant 0 : i32
      %dma_start3A_47 = arith.constant 0 : i32
      %dma_start3A_48 = tpu.memref_slice %arg2[%dma_start3A_46, %dma_start3A_47] : memref<20224x128xf32, #tpu.memory_space<hbm>> -> memref<20224x128xf32, #tpu.memory_space<hbm>>
      tpu.enqueue_indirect_dma source(%dma_start3A_48 : memref<20224x128xf32, #tpu.memory_space<hbm>>) target(%arg12 : memref<128x128xf32, #tpu.memory_space<vmem>>) offsets(%arg10 : memref<128xi32, #tpu.memory_space<vmem>>) semaphore(%arg13 : memref<!tpu.dma_semaphore, #tpu.memory_space<semaphore_mem>>)
      %dma_wait3A = arith.constant 0 : i32
      %dma_wait3A_49 = arith.constant 0 : i32
      %dma_wait3A_50 = tpu.memref_slice %arg2[%dma_wait3A, %dma_wait3A_49] : memref<20224x128xf32, #tpu.memory_space<hbm>> -> memref<20224x128xf32, #tpu.memory_space<hbm>>
      tpu.wait_indirect_dma semaphore(%arg9 : memref<!tpu.dma_semaphore, #tpu.memory_space<semaphore_mem>>) src(%dma_wait3A_50 : memref<20224x128xf32, #tpu.memory_space<hbm>>) dst(%arg8 : memref<128x128xf32, #tpu.memory_space<vmem>>)
      "tpu.region"() ({
        %run_scoped3A = tpu.sem_alloc : memref<!tpu.dma_semaphore, #tpu.memory_space<semaphore_mem>>
        %dma_start3A_56 = arith.constant 0 : i32
        %dma_start3A_57 = arith.constant 0 : i32
        %dma_start3A_58 = tpu.memref_slice %arg14[%dma_start3A_56, %dma_start3A_57] : memref<10112x128xf32, #tpu.memory_space<vmem_shared>> -> memref<10112x128xf32, #tpu.memory_space<vmem_shared>>
        tpu.enqueue_indirect_dma source(%arg8 : memref<128x128xf32, #tpu.memory_space<vmem>>) target(%dma_start3A_58 : memref<10112x128xf32, #tpu.memory_space<vmem_shared>>) offsets(%arg7 : memref<128xi32, #tpu.memory_space<vmem>>) semaphore(%run_scoped3A : memref<!tpu.dma_semaphore, #tpu.memory_space<semaphore_mem>>) {add = true}
        %dma_wait3A_59 = arith.constant 0 : i32
        %dma_wait3A_60 = arith.constant 0 : i32
        %dma_wait3A_61 = tpu.memref_slice %arg14[%dma_wait3A_59, %dma_wait3A_60] : memref<10112x128xf32, #tpu.memory_space<vmem_shared>> -> memref<10112x128xf32, #tpu.memory_space<vmem_shared>>
        tpu.wait_indirect_dma semaphore(%run_scoped3A : memref<!tpu.dma_semaphore, #tpu.memory_space<semaphore_mem>>) src(%arg8 : memref<128x128xf32, #tpu.memory_space<vmem>>) dst(%dma_wait3A_61 : memref<10112x128xf32, #tpu.memory_space<vmem_shared>>)
        tpu.yield
      }) : () -> ()
      %lt3A = arith.constant 78 : i32
      %lt3A_51 = arith.cmpi slt, %scan3A_35, %lt3A : i32
      %convert_element_type3A = arith.extui %lt3A_51 : i1 to i32
      %cond3A = arith.constant 0 : i32
      %cond3A_52 = arith.cmpi ne, %convert_element_type3A, %cond3A : i32
      scf.if %cond3A_52 {
        %add3A_56 = arith.constant 2 : i32
        %add3A_57 = arith.addi %mul3A_37, %add3A_56 : i32
        %mul3A_58 = arith.constant 128 : i32
        %mul3A_59 = arith.muli %add3A_57, %mul3A_58 : i32
        %add3A_60 = arith.addi %add3A_11, %mul3A_59 : i32
        "tpu.region"() ({
          %run_scoped3A = tpu.sem_alloc : memref<!tpu.dma_semaphore, #tpu.memory_space<semaphore_mem>>
          %dma_start3A_67 = tpu.memref_slice %arg3[%add3A_60] : memref<647168xi32, #tpu.memory_space<hbm>> -> memref<128xi32, #tpu.memory_space<hbm>>
          %dma_start3A_68 = tpu.memref_slice %arg3[%add3A_60] : memref<647168xi32, #tpu.memory_space<hbm>> -> memref<128xi32, #tpu.memory_space<hbm>>
          tpu.enqueue_dma source(%dma_start3A_68 : memref<128xi32, #tpu.memory_space<hbm>>) target(%arg6 : memref<128xi32, #tpu.memory_space<vmem>>) target_semaphore(%run_scoped3A : memref<!tpu.dma_semaphore, #tpu.memory_space<semaphore_mem>>)
          %dma_wait3A_69 = tpu.memref_slice %arg3[%add3A_60] : memref<647168xi32, #tpu.memory_space<hbm>> -> memref<128xi32, #tpu.memory_space<hbm>>
          %dma_wait3A_70 = tpu.memref_slice %arg3[%add3A_60] : memref<647168xi32, #tpu.memory_space<hbm>> -> memref<128xi32, #tpu.memory_space<hbm>>
          tpu.wait_dma2 semaphore(%run_scoped3A : memref<!tpu.dma_semaphore, #tpu.memory_space<semaphore_mem>>) src(%dma_wait3A_70 : memref<128xi32, #tpu.memory_space<hbm>>) dst(%arg6 : memref<128xi32, #tpu.memory_space<vmem>>)
          tpu.yield
        }) : () -> ()
        %mul3A_61 = arith.constant 128 : i32
        %mul3A_62 = arith.muli %add3A_57, %mul3A_61 : i32
        %add3A_63 = arith.addi %mul3A_15, %mul3A_62 : i32
        "tpu.region"() ({
          %run_scoped3A = tpu.sem_alloc : memref<!tpu.dma_semaphore, #tpu.memory_space<semaphore_mem>>
          %dma_start3A_67 = tpu.memref_slice %arg4[%add3A_63] : memref<323584xi32, #tpu.memory_space<hbm>> -> memref<128xi32, #tpu.memory_space<hbm>>
          %dma_start3A_68 = tpu.memref_slice %arg4[%add3A_63] : memref<323584xi32, #tpu.memory_space<hbm>> -> memref<128xi32, #tpu.memory_space<hbm>>
          tpu.enqueue_dma source(%dma_start3A_68 : memref<128xi32, #tpu.memory_space<hbm>>) target(%arg7 : memref<128xi32, #tpu.memory_space<vmem>>) target_semaphore(%run_scoped3A : memref<!tpu.dma_semaphore, #tpu.memory_space<semaphore_mem>>)
          %dma_wait3A_69 = tpu.memref_slice %arg4[%add3A_63] : memref<323584xi32, #tpu.memory_space<hbm>> -> memref<128xi32, #tpu.memory_space<hbm>>
          %dma_wait3A_70 = tpu.memref_slice %arg4[%add3A_63] : memref<323584xi32, #tpu.memory_space<hbm>> -> memref<128xi32, #tpu.memory_space<hbm>>
          tpu.wait_dma2 semaphore(%run_scoped3A : memref<!tpu.dma_semaphore, #tpu.memory_space<semaphore_mem>>) src(%dma_wait3A_70 : memref<128xi32, #tpu.memory_space<hbm>>) dst(%arg7 : memref<128xi32, #tpu.memory_space<vmem>>)
          tpu.yield
        }) : () -> ()
        %dma_start3A_64 = arith.constant 0 : i32
        %dma_start3A_65 = arith.constant 0 : i32
        %dma_start3A_66 = tpu.memref_slice %arg2[%dma_start3A_64, %dma_start3A_65] : memref<20224x128xf32, #tpu.memory_space<hbm>> -> memref<20224x128xf32, #tpu.memory_space<hbm>>
        tpu.enqueue_indirect_dma source(%dma_start3A_66 : memref<20224x128xf32, #tpu.memory_space<hbm>>) target(%arg8 : memref<128x128xf32, #tpu.memory_space<vmem>>) offsets(%arg6 : memref<128xi32, #tpu.memory_space<vmem>>) semaphore(%arg9 : memref<!tpu.dma_semaphore, #tpu.memory_space<semaphore_mem>>)
      } else {
      }
      %dma_wait3A_53 = arith.constant 0 : i32
      %dma_wait3A_54 = arith.constant 0 : i32
      %dma_wait3A_55 = tpu.memref_slice %arg2[%dma_wait3A_53, %dma_wait3A_54] : memref<20224x128xf32, #tpu.memory_space<hbm>> -> memref<20224x128xf32, #tpu.memory_space<hbm>>
      tpu.wait_indirect_dma semaphore(%arg13 : memref<!tpu.dma_semaphore, #tpu.memory_space<semaphore_mem>>) src(%dma_wait3A_55 : memref<20224x128xf32, #tpu.memory_space<hbm>>) dst(%arg12 : memref<128x128xf32, #tpu.memory_space<vmem>>)
      "tpu.region"() ({
        %run_scoped3A = tpu.sem_alloc : memref<!tpu.dma_semaphore, #tpu.memory_space<semaphore_mem>>
        %dma_start3A_56 = arith.constant 0 : i32
        %dma_start3A_57 = arith.constant 0 : i32
        %dma_start3A_58 = tpu.memref_slice %arg14[%dma_start3A_56, %dma_start3A_57] : memref<10112x128xf32, #tpu.memory_space<vmem_shared>> -> memref<10112x128xf32, #tpu.memory_space<vmem_shared>>
        tpu.enqueue_indirect_dma source(%arg12 : memref<128x128xf32, #tpu.memory_space<vmem>>) target(%dma_start3A_58 : memref<10112x128xf32, #tpu.memory_space<vmem_shared>>) offsets(%arg11 : memref<128xi32, #tpu.memory_space<vmem>>) semaphore(%run_scoped3A : memref<!tpu.dma_semaphore, #tpu.memory_space<semaphore_mem>>) {add = true}
        %dma_wait3A_59 = arith.constant 0 : i32
        %dma_wait3A_60 = arith.constant 0 : i32
        %dma_wait3A_61 = tpu.memref_slice %arg14[%dma_wait3A_59, %dma_wait3A_60] : memref<10112x128xf32, #tpu.memory_space<vmem_shared>> -> memref<10112x128xf32, #tpu.memory_space<vmem_shared>>
        tpu.wait_indirect_dma semaphore(%run_scoped3A : memref<!tpu.dma_semaphore, #tpu.memory_space<semaphore_mem>>) src(%arg12 : memref<128x128xf32, #tpu.memory_space<vmem>>) dst(%dma_wait3A_61 : memref<10112x128xf32, #tpu.memory_space<vmem_shared>>)
        tpu.yield
      }) : () -> ()
    }
    %scan3A_26 = arith.constant 79 : i32
    %barrier3A_27 = arith.constant 0 : index
    tpu.barrier barrier_id(%barrier3A_27)
    %mul3A_28 = arith.constant 632 : i32
    %mul3A_29 = arith.muli %arg1, %mul3A_28 : i32
    %mul3A_30 = arith.constant 10112 : i32
    %mul3A_31 = arith.muli %arg0, %mul3A_30 : i32
    %mul3A_32 = arith.constant 632 : i32
    %mul3A_33 = arith.muli %arg1, %mul3A_32 : i32
    %add3A_34 = arith.addi %mul3A_31, %mul3A_33 : i32
    "tpu.region"() ({
      %run_scoped3A = tpu.sem_alloc : memref<!tpu.dma_semaphore, #tpu.memory_space<semaphore_mem>>
      %dma_start3A_35 = arith.constant 0 : i32
      %dma_start3A_36 = tpu.memref_slice %arg5[%add3A_34, %dma_start3A_35] : memref<20224x128xf32, #tpu.memory_space<hbm>> -> memref<632x128xf32, #tpu.memory_space<hbm>>
      %dma_start3A_37 = arith.constant 0 : i32
      %dma_start3A_38 = tpu.memref_slice %arg14[%mul3A_29, %dma_start3A_37] : memref<10112x128xf32, #tpu.memory_space<vmem_shared>> -> memref<632x128xf32, #tpu.memory_space<vmem_shared>>
      tpu.enqueue_dma source(%dma_start3A_38 : memref<632x128xf32, #tpu.memory_space<vmem_shared>>) target(%dma_start3A_36 : memref<632x128xf32, #tpu.memory_space<hbm>>) target_semaphore(%run_scoped3A : memref<!tpu.dma_semaphore, #tpu.memory_space<semaphore_mem>>)
      %dma_wait3A = arith.constant 0 : i32
      %dma_wait3A_39 = tpu.memref_slice %arg5[%add3A_34, %dma_wait3A] : memref<20224x128xf32, #tpu.memory_space<hbm>> -> memref<632x128xf32, #tpu.memory_space<hbm>>
      %dma_wait3A_40 = arith.constant 0 : i32
      %dma_wait3A_41 = tpu.memref_slice %arg14[%mul3A_29, %dma_wait3A_40] : memref<10112x128xf32, #tpu.memory_space<vmem_shared>> -> memref<632x128xf32, #tpu.memory_space<vmem_shared>>
      tpu.wait_dma2 semaphore(%run_scoped3A : memref<!tpu.dma_semaphore, #tpu.memory_space<semaphore_mem>>) src(%dma_wait3A_41 : memref<632x128xf32, #tpu.memory_space<vmem_shared>>) dst(%dma_wait3A_39 : memref<632x128xf32, #tpu.memory_space<hbm>>)
      tpu.yield
    }) : () -> ()
    return
  }
}

module attributes {stable_mosaic.version = 14 : i64} {
  func.func @body(%arg0: i32, %arg1: memref<632x128xf32, #tpu.memory_space<vmem>>, %arg2: memref<2x632x128xf32, #tpu.memory_space<vmem>>, %arg3: memref<128x256xf32, #tpu.memory_space<vmem>>, %arg4: memref<1x256xf32, #tpu.memory_space<vmem>>, %arg5: memref<256x256xf32, #tpu.memory_space<vmem>>, %arg6: memref<1x256xf32, #tpu.memory_space<vmem>>, %arg7: memref<2x632x128xf32, #tpu.memory_space<vmem>>) attributes {dimension_semantics = [#tpu.dimension_semantics<arbitrary>], iteration_bounds = array<i64: 16>, scalar_prefetch = 0 : i64, scratch_operands = 0 : i64, tpu.core_type = #tpu.core_type<tc>, window_params = [{transform_indices = @transform_0, window_bounds = array<i64: 632, 128>}, {transform_indices = @transform_1, window_bounds = array<i64: 2, 632, 128>}, {pipeline_mode = #tpu.pipeline_mode<synchronous>, transform_indices = @transform_2, window_bounds = array<i64: 128, 256>}, {pipeline_mode = #tpu.pipeline_mode<synchronous>, transform_indices = @transform_3, window_bounds = array<i64: 1, 256>}, {pipeline_mode = #tpu.pipeline_mode<synchronous>, transform_indices = @transform_4, window_bounds = array<i64: 256, 256>}, {pipeline_mode = #tpu.pipeline_mode<synchronous>, transform_indices = @transform_5, window_bounds = array<i64: 1, 256>}, {transform_indices = @transform_6, window_bounds = array<i64: 2, 632, 128>}]} {
    %get3A = arith.constant 0 : index
    %get3A_0 = arith.constant 0 : index
    %get3A_1 = vector.load %arg1[%get3A, %get3A_0] : memref<632x128xf32, #tpu.memory_space<vmem>>, vector<632x128xf32>
    %get3A_2 = arith.constant 0 : index
    %get3A_3 = arith.constant 0 : index
    %get3A_4 = arith.constant 0 : index
    %get3A_5 = vector.load %arg2[%get3A_2, %get3A_3, %get3A_4] : memref<2x632x128xf32, #tpu.memory_space<vmem>>, vector<1x632x128xf32>
    %get3A_6 = vector.shape_cast %get3A_5 : vector<1x632x128xf32> to vector<632x128xf32>
    %add3A = arith.addf %get3A_1, %get3A_6 : vector<632x128xf32>
    %get3A_7 = arith.constant 1 : index
    %get3A_8 = arith.constant 0 : index
    %get3A_9 = arith.constant 0 : index
    %get3A_10 = vector.load %arg2[%get3A_7, %get3A_8, %get3A_9] : memref<2x632x128xf32, #tpu.memory_space<vmem>>, vector<1x632x128xf32>
    %get3A_11 = vector.shape_cast %get3A_10 : vector<1x632x128xf32> to vector<632x128xf32>
    %add3A_12 = arith.addf %add3A, %get3A_11 : vector<632x128xf32>
    %get3A_13 = arith.constant 0 : index
    %get3A_14 = arith.constant 0 : index
    %get3A_15 = vector.load %arg3[%get3A_13, %get3A_14] : memref<128x256xf32, #tpu.memory_space<vmem>>, vector<128x256xf32>
    %dot_general3A = arith.constant dense<0.000000e+00> : vector<632x256xf32>
    %dot_general3A_16 = tpu.matmul %add3A_12, %get3A_15, %dot_general3A {dimension_numbers = #tpu.dot_dimension_numbers<[1], [0], [0], [1], [0, 0, 1, 1], [], []>, transpose_lhs_hint = false} : vector<632x128xf32>, vector<128x256xf32>, vector<632x256xf32> -> vector<632x256xf32>
    %get3A_17 = arith.constant 0 : index
    %get3A_18 = arith.constant 0 : index
    %get3A_19 = vector.load %arg4[%get3A_17, %get3A_18] : memref<1x256xf32, #tpu.memory_space<vmem>>, vector<1x256xf32>
    %add3A_20 = vector.broadcast %get3A_19 : vector<1x256xf32> to vector<632x256xf32>
    %add3A_21 = arith.addf %dot_general3A_16, %add3A_20 : vector<632x256xf32>
    %max3A = arith.constant 0.000000e+00 : f32
    %max3A_22 = vector.broadcast %max3A : f32 to vector<632x256xf32>
    %max3A_23 = arith.maximumf %add3A_21, %max3A_22 : vector<632x256xf32>
    %get3A_24 = arith.constant 0 : index
    %get3A_25 = arith.constant 0 : index
    %get3A_26 = vector.load %arg5[%get3A_24, %get3A_25] : memref<256x256xf32, #tpu.memory_space<vmem>>, vector<256x256xf32>
    %dot_general3A_27 = arith.constant dense<0.000000e+00> : vector<632x256xf32>
    %dot_general3A_28 = tpu.matmul %max3A_23, %get3A_26, %dot_general3A_27 {dimension_numbers = #tpu.dot_dimension_numbers<[1], [0], [0], [1], [0, 0, 1, 1], [], []>, transpose_lhs_hint = false} : vector<632x256xf32>, vector<256x256xf32>, vector<632x256xf32> -> vector<632x256xf32>
    %get3A_29 = arith.constant 0 : index
    %get3A_30 = arith.constant 0 : index
    %get3A_31 = vector.load %arg6[%get3A_29, %get3A_30] : memref<1x256xf32, #tpu.memory_space<vmem>>, vector<1x256xf32>
    %add3A_32 = vector.broadcast %get3A_31 : vector<1x256xf32> to vector<632x256xf32>
    %add3A_33 = arith.addf %dot_general3A_28, %add3A_32 : vector<632x256xf32>
    %max3A_34 = arith.constant 0.000000e+00 : f32
    %max3A_35 = vector.broadcast %max3A_34 : f32 to vector<632x256xf32>
    %max3A_36 = arith.maximumf %add3A_33, %max3A_35 : vector<632x256xf32>
    %slice3A = vector.extract_strided_slice %max3A_36 {offsets = [0, 0], sizes = [632, 128], strides = [1, 1]} : vector<632x256xf32> to vector<632x128xf32>
    %swap3A = arith.constant 0 : index
    %swap3A_37 = arith.constant 0 : index
    %swap3A_38 = arith.constant 0 : index
    %swap3A_39 = vector.load %arg7[%swap3A, %swap3A_37, %swap3A_38] : memref<2x632x128xf32, #tpu.memory_space<vmem>>, vector<1x632x128xf32>
    %swap3A_40 = vector.shape_cast %swap3A_39 : vector<1x632x128xf32> to vector<632x128xf32>
    %swap3A_41 = vector.shape_cast %slice3A : vector<632x128xf32> to vector<1x632x128xf32>
    tpu.vector_store %arg7[%swap3A, %swap3A_37, %swap3A_38], %swap3A_41 {strides = array<i32>} : memref<2x632x128xf32, #tpu.memory_space<vmem>>, vector<1x632x128xf32>,
    %slice3A_42 = vector.extract_strided_slice %max3A_36 {offsets = [0, 128], sizes = [632, 128], strides = [1, 1]} : vector<632x256xf32> to vector<632x128xf32>
    %swap3A_43 = arith.constant 1 : index
    %swap3A_44 = arith.constant 0 : index
    %swap3A_45 = arith.constant 0 : index
    %swap3A_46 = vector.load %arg7[%swap3A_43, %swap3A_44, %swap3A_45] : memref<2x632x128xf32, #tpu.memory_space<vmem>>, vector<1x632x128xf32>
    %swap3A_47 = vector.shape_cast %swap3A_46 : vector<1x632x128xf32> to vector<632x128xf32>
    %swap3A_48 = vector.shape_cast %slice3A_42 : vector<632x128xf32> to vector<1x632x128xf32>
    tpu.vector_store %arg7[%swap3A_43, %swap3A_44, %swap3A_45], %swap3A_48 {strides = array<i32>} : memref<2x632x128xf32, #tpu.memory_space<vmem>>, vector<1x632x128xf32>,
    return
  }
  func.func @transform_0(%arg0: i32) -> (i32, i32) {
    %c0_i32 = arith.constant 0 : i32
    %c0_i32_0 = arith.constant 0 : i32
    return %arg0, %c0_i32 : i32, i32
  }
  func.func @transform_1(%arg0: i32) -> (i32, i32, i32) {
    %c0_i32 = arith.constant 0 : i32
    %c0_i32_0 = arith.constant 0 : i32
    %c0_i32_1 = arith.constant 0 : i32
    return %c0_i32, %arg0, %c0_i32_0 : i32, i32, i32
  }
  func.func @transform_2(%arg0: i32) -> (i32, i32) {
    %c0_i32 = arith.constant 0 : i32
    %c0_i32_0 = arith.constant 0 : i32
    %c0_i32_1 = arith.constant 0 : i32
    return %c0_i32, %c0_i32_0 : i32, i32
  }
  func.func @transform_3(%arg0: i32) -> (i32, i32) {
    %c0_i32 = arith.constant 0 : i32
    %c0_i32_0 = arith.constant 0 : i32
    %c0_i32_1 = arith.constant 0 : i32
    return %c0_i32, %c0_i32_0 : i32, i32
  }
  func.func @transform_4(%arg0: i32) -> (i32, i32) {
    %c0_i32 = arith.constant 0 : i32
    %c0_i32_0 = arith.constant 0 : i32
    %c0_i32_1 = arith.constant 0 : i32
    return %c0_i32, %c0_i32_0 : i32, i32
  }
  func.func @transform_5(%arg0: i32) -> (i32, i32) {
    %c0_i32 = arith.constant 0 : i32
    %c0_i32_0 = arith.constant 0 : i32
    %c0_i32_1 = arith.constant 0 : i32
    return %c0_i32, %c0_i32_0 : i32, i32
  }
  func.func @transform_6(%arg0: i32) -> (i32, i32, i32) {
    %c0_i32 = arith.constant 0 : i32
    %c0_i32_0 = arith.constant 0 : i32
    %c0_i32_1 = arith.constant 0 : i32
    return %c0_i32, %arg0, %c0_i32_0 : i32, i32, i32
  }
}

module attributes {stable_mosaic.version = 14 : i64} {
  func.func @body(%arg0: i32, %arg1: memref<2x632x128xf32, #tpu.memory_space<vmem>>, %arg2: memref<2x128x256xf32, #tpu.memory_space<vmem>>, %arg3: memref<1x256xf32, #tpu.memory_space<vmem>>, %arg4: memref<256x256xf32, #tpu.memory_space<vmem>>, %arg5: memref<1x256xf32, #tpu.memory_space<vmem>>, %arg6: memref<2x632x128xf32, #tpu.memory_space<vmem>>) attributes {dimension_semantics = [#tpu.dimension_semantics<arbitrary>], iteration_bounds = array<i64: 16>, scalar_prefetch = 0 : i64, scratch_operands = 0 : i64, tpu.core_type = #tpu.core_type<tc>, window_params = [{transform_indices = @transform_0, window_bounds = array<i64: 2, 632, 128>}, {pipeline_mode = #tpu.pipeline_mode<synchronous>, transform_indices = @transform_1, window_bounds = array<i64: 2, 128, 256>}, {pipeline_mode = #tpu.pipeline_mode<synchronous>, transform_indices = @transform_2, window_bounds = array<i64: 1, 256>}, {pipeline_mode = #tpu.pipeline_mode<synchronous>, transform_indices = @transform_3, window_bounds = array<i64: 256, 256>}, {pipeline_mode = #tpu.pipeline_mode<synchronous>, transform_indices = @transform_4, window_bounds = array<i64: 1, 256>}, {transform_indices = @transform_5, window_bounds = array<i64: 2, 632, 128>}]} {
    %get3A = arith.constant 0 : index
    %get3A_0 = arith.constant 0 : index
    %get3A_1 = arith.constant 0 : index
    %get3A_2 = vector.load %arg1[%get3A, %get3A_0, %get3A_1] : memref<2x632x128xf32, #tpu.memory_space<vmem>>, vector<1x632x128xf32>
    %get3A_3 = vector.shape_cast %get3A_2 : vector<1x632x128xf32> to vector<632x128xf32>
    %get3A_4 = arith.constant 0 : index
    %get3A_5 = arith.constant 0 : index
    %get3A_6 = arith.constant 0 : index
    %get3A_7 = vector.load %arg2[%get3A_4, %get3A_5, %get3A_6] : memref<2x128x256xf32, #tpu.memory_space<vmem>>, vector<1x128x256xf32>
    %get3A_8 = vector.shape_cast %get3A_7 : vector<1x128x256xf32> to vector<128x256xf32>
    %dot_general3A = arith.constant dense<0.000000e+00> : vector<632x256xf32>
    %dot_general3A_9 = tpu.matmul %get3A_3, %get3A_8, %dot_general3A {dimension_numbers = #tpu.dot_dimension_numbers<[1], [0], [0], [1], [0, 0, 1, 1], [], []>, transpose_lhs_hint = false} : vector<632x128xf32>, vector<128x256xf32>, vector<632x256xf32> -> vector<632x256xf32>
    %get3A_10 = arith.constant 1 : index
    %get3A_11 = arith.constant 0 : index
    %get3A_12 = arith.constant 0 : index
    %get3A_13 = vector.load %arg1[%get3A_10, %get3A_11, %get3A_12] : memref<2x632x128xf32, #tpu.memory_space<vmem>>, vector<1x632x128xf32>
    %get3A_14 = vector.shape_cast %get3A_13 : vector<1x632x128xf32> to vector<632x128xf32>
    %get3A_15 = arith.constant 1 : index
    %get3A_16 = arith.constant 0 : index
    %get3A_17 = arith.constant 0 : index
    %get3A_18 = vector.load %arg2[%get3A_15, %get3A_16, %get3A_17] : memref<2x128x256xf32, #tpu.memory_space<vmem>>, vector<1x128x256xf32>
    %get3A_19 = vector.shape_cast %get3A_18 : vector<1x128x256xf32> to vector<128x256xf32>
    %dot_general3A_20 = arith.constant dense<0.000000e+00> : vector<632x256xf32>
    %dot_general3A_21 = tpu.matmul %get3A_14, %get3A_19, %dot_general3A_20 {dimension_numbers = #tpu.dot_dimension_numbers<[1], [0], [0], [1], [0, 0, 1, 1], [], []>, transpose_lhs_hint = false} : vector<632x128xf32>, vector<128x256xf32>, vector<632x256xf32> -> vector<632x256xf32>
    %add3A = arith.addf %dot_general3A_9, %dot_general3A_21 : vector<632x256xf32>
    %get3A_22 = arith.constant 0 : index
    %get3A_23 = arith.constant 0 : index
    %get3A_24 = vector.load %arg3[%get3A_22, %get3A_23] : memref<1x256xf32, #tpu.memory_space<vmem>>, vector<1x256xf32>
    %add3A_25 = vector.broadcast %get3A_24 : vector<1x256xf32> to vector<632x256xf32>
    %add3A_26 = arith.addf %add3A, %add3A_25 : vector<632x256xf32>
    %max3A = arith.constant 0.000000e+00 : f32
    %max3A_27 = vector.broadcast %max3A : f32 to vector<632x256xf32>
    %max3A_28 = arith.maximumf %add3A_26, %max3A_27 : vector<632x256xf32>
    %get3A_29 = arith.constant 0 : index
    %get3A_30 = arith.constant 0 : index
    %get3A_31 = vector.load %arg4[%get3A_29, %get3A_30] : memref<256x256xf32, #tpu.memory_space<vmem>>, vector<256x256xf32>
    %dot_general3A_32 = arith.constant dense<0.000000e+00> : vector<632x256xf32>
    %dot_general3A_33 = tpu.matmul %max3A_28, %get3A_31, %dot_general3A_32 {dimension_numbers = #tpu.dot_dimension_numbers<[1], [0], [0], [1], [0, 0, 1, 1], [], []>, transpose_lhs_hint = false} : vector<632x256xf32>, vector<256x256xf32>, vector<632x256xf32> -> vector<632x256xf32>
    %get3A_34 = arith.constant 0 : index
    %get3A_35 = arith.constant 0 : index
    %get3A_36 = vector.load %arg5[%get3A_34, %get3A_35] : memref<1x256xf32, #tpu.memory_space<vmem>>, vector<1x256xf32>
    %add3A_37 = vector.broadcast %get3A_36 : vector<1x256xf32> to vector<632x256xf32>
    %add3A_38 = arith.addf %dot_general3A_33, %add3A_37 : vector<632x256xf32>
    %max3A_39 = arith.constant 0.000000e+00 : f32
    %max3A_40 = vector.broadcast %max3A_39 : f32 to vector<632x256xf32>
    %max3A_41 = arith.maximumf %add3A_38, %max3A_40 : vector<632x256xf32>
    %slice3A = vector.extract_strided_slice %max3A_41 {offsets = [0, 0], sizes = [632, 128], strides = [1, 1]} : vector<632x256xf32> to vector<632x128xf32>
    %swap3A = arith.constant 0 : index
    %swap3A_42 = arith.constant 0 : index
    %swap3A_43 = arith.constant 0 : index
    %swap3A_44 = vector.load %arg6[%swap3A, %swap3A_42, %swap3A_43] : memref<2x632x128xf32, #tpu.memory_space<vmem>>, vector<1x632x128xf32>
    %swap3A_45 = vector.shape_cast %swap3A_44 : vector<1x632x128xf32> to vector<632x128xf32>
    %swap3A_46 = vector.shape_cast %slice3A : vector<632x128xf32> to vector<1x632x128xf32>
    tpu.vector_store %arg6[%swap3A, %swap3A_42, %swap3A_43], %swap3A_46 {strides = array<i32>} : memref<2x632x128xf32, #tpu.memory_space<vmem>>, vector<1x632x128xf32>,
    %slice3A_47 = vector.extract_strided_slice %max3A_41 {offsets = [0, 128], sizes = [632, 128], strides = [1, 1]} : vector<632x256xf32> to vector<632x128xf32>
    %swap3A_48 = arith.constant 1 : index
    %swap3A_49 = arith.constant 0 : index
    %swap3A_50 = arith.constant 0 : index
    %swap3A_51 = vector.load %arg6[%swap3A_48, %swap3A_49, %swap3A_50] : memref<2x632x128xf32, #tpu.memory_space<vmem>>, vector<1x632x128xf32>
    %swap3A_52 = vector.shape_cast %swap3A_51 : vector<1x632x128xf32> to vector<632x128xf32>
    %swap3A_53 = vector.shape_cast %slice3A_47 : vector<632x128xf32> to vector<1x632x128xf32>
    tpu.vector_store %arg6[%swap3A_48, %swap3A_49, %swap3A_50], %swap3A_53 {strides = array<i32>} : memref<2x632x128xf32, #tpu.memory_space<vmem>>, vector<1x632x128xf32>,
    return
  }
  func.func @transform_0(%arg0: i32) -> (i32, i32, i32) {
    %c0_i32 = arith.constant 0 : i32
    %c0_i32_0 = arith.constant 0 : i32
    %c0_i32_1 = arith.constant 0 : i32
    return %c0_i32, %arg0, %c0_i32_0 : i32, i32, i32
  }
  func.func @transform_1(%arg0: i32) -> (i32, i32, i32) {
    %c0_i32 = arith.constant 0 : i32
    %c0_i32_0 = arith.constant 0 : i32
    %c0_i32_1 = arith.constant 0 : i32
    %c0_i32_2 = arith.constant 0 : i32
    return %c0_i32, %c0_i32_0, %c0_i32_1 : i32, i32, i32
  }
  func.func @transform_2(%arg0: i32) -> (i32, i32) {
    %c0_i32 = arith.constant 0 : i32
    %c0_i32_0 = arith.constant 0 : i32
    %c0_i32_1 = arith.constant 0 : i32
    return %c0_i32, %c0_i32_0 : i32, i32
  }
  func.func @transform_3(%arg0: i32) -> (i32, i32) {
    %c0_i32 = arith.constant 0 : i32
    %c0_i32_0 = arith.constant 0 : i32
    %c0_i32_1 = arith.constant 0 : i32
    return %c0_i32, %c0_i32_0 : i32, i32
  }
  func.func @transform_4(%arg0: i32) -> (i32, i32) {
    %c0_i32 = arith.constant 0 : i32
    %c0_i32_0 = arith.constant 0 : i32
    %c0_i32_1 = arith.constant 0 : i32
    return %c0_i32, %c0_i32_0 : i32, i32
  }
  func.func @transform_5(%arg0: i32) -> (i32, i32, i32) {
    %c0_i32 = arith.constant 0 : i32
    %c0_i32_0 = arith.constant 0 : i32
    %c0_i32_1 = arith.constant 0 : i32
    return %c0_i32, %arg0, %c0_i32_0 : i32, i32, i32
  }
}

module attributes {stable_mosaic.version = 14 : i64} {
  func.func @body(%arg0: i32, %arg1: memref<2x632x128xf32, #tpu.memory_space<vmem>>, %arg2: memref<2x128x256xf32, #tpu.memory_space<vmem>>, %arg3: memref<1x256xf32, #tpu.memory_space<vmem>>, %arg4: memref<256x256xf32, #tpu.memory_space<vmem>>, %arg5: memref<1x256xf32, #tpu.memory_space<vmem>>, %arg6: memref<1x1x632xi32, #tpu.memory_space<vmem>>, %arg7: memref<256x128xf32, #tpu.memory_space<vmem>>, %arg8: memref<1x128xf32, #tpu.memory_space<vmem>>, %arg9: memref<64x128xf32, #tpu.memory_space<vmem>>, %arg10: memref<64x256xf32, #tpu.memory_space<vmem>>, %arg11: memref<64x256xf32, #tpu.memory_space<vmem>>) attributes {dimension_semantics = [#tpu.dimension_semantics<arbitrary>], iteration_bounds = array<i64: 16>, scalar_prefetch = 0 : i64, scratch_operands = 2 : i64, tpu.core_type = #tpu.core_type<tc>, window_params = [{transform_indices = @transform_0, window_bounds = array<i64: 2, 632, 128>}, {pipeline_mode = #tpu.pipeline_mode<synchronous>, transform_indices = @transform_1, window_bounds = array<i64: 2, 128, 256>}, {pipeline_mode = #tpu.pipeline_mode<synchronous>, transform_indices = @transform_2, window_bounds = array<i64: 1, 256>}, {pipeline_mode = #tpu.pipeline_mode<synchronous>, transform_indices = @transform_3, window_bounds = array<i64: 256, 256>}, {pipeline_mode = #tpu.pipeline_mode<synchronous>, transform_indices = @transform_4, window_bounds = array<i64: 1, 256>}, {transform_indices = @transform_5, window_bounds = array<i64: 1, 1, 632>}, {pipeline_mode = #tpu.pipeline_mode<synchronous>, transform_indices = @transform_6, window_bounds = array<i64: 256, 128>}, {pipeline_mode = #tpu.pipeline_mode<synchronous>, transform_indices = @transform_7, window_bounds = array<i64: 1, 128>}, {pipeline_mode = #tpu.pipeline_mode<synchronous>, transform_indices = @transform_8, window_bounds = array<i64: 64, 128>}]} {
    %eq3A = arith.constant 0 : i32
    %eq3A_0 = arith.cmpi eq, %arg0, %eq3A : i32
    %convert_element_type3A = arith.extui %eq3A_0 : i1 to i32
    %cond3A = arith.constant 0 : i32
    %cond3A_1 = arith.cmpi ne, %convert_element_type3A, %cond3A : i32
    scf.if %cond3A_1 {
      %broadcast_in_dim3A_77 = arith.constant 0.000000e+00 : f32
      %broadcast_in_dim3A_78 = vector.broadcast %broadcast_in_dim3A_77 : f32 to vector<64x256xf32>
      %swap3A_79 = arith.constant 0 : index
      %swap3A_80 = arith.constant 0 : index
      %swap3A_81 = vector.load %arg10[%swap3A_79, %swap3A_80] : memref<64x256xf32, #tpu.memory_space<vmem>>, vector<64x256xf32>
      tpu.vector_store %arg10[%swap3A_79, %swap3A_80], %broadcast_in_dim3A_78 {strides = array<i32>} : memref<64x256xf32, #tpu.memory_space<vmem>>, vector<64x256xf32>,
      %broadcast_in_dim3A_82 = arith.constant 0.000000e+00 : f32
      %broadcast_in_dim3A_83 = vector.broadcast %broadcast_in_dim3A_82 : f32 to vector<64x256xf32>
      %swap3A_84 = arith.constant 0 : index
      %swap3A_85 = arith.constant 0 : index
      %swap3A_86 = vector.load %arg11[%swap3A_84, %swap3A_85] : memref<64x256xf32, #tpu.memory_space<vmem>>, vector<64x256xf32>
      tpu.vector_store %arg11[%swap3A_84, %swap3A_85], %broadcast_in_dim3A_83 {strides = array<i32>} : memref<64x256xf32, #tpu.memory_space<vmem>>, vector<64x256xf32>,
    } else {
    }
    %get3A = arith.constant 0 : index
    %get3A_2 = arith.constant 0 : index
    %get3A_3 = arith.constant 0 : index
    %get3A_4 = vector.load %arg1[%get3A, %get3A_2, %get3A_3] : memref<2x632x128xf32, #tpu.memory_space<vmem>>, vector<1x632x128xf32>
    %get3A_5 = vector.shape_cast %get3A_4 : vector<1x632x128xf32> to vector<632x128xf32>
    %get3A_6 = arith.constant 0 : index
    %get3A_7 = arith.constant 0 : index
    %get3A_8 = arith.constant 0 : index
    %get3A_9 = vector.load %arg2[%get3A_6, %get3A_7, %get3A_8] : memref<2x128x256xf32, #tpu.memory_space<vmem>>, vector<1x128x256xf32>
    %get3A_10 = vector.shape_cast %get3A_9 : vector<1x128x256xf32> to vector<128x256xf32>
    %dot_general3A = arith.constant dense<0.000000e+00> : vector<632x256xf32>
    %dot_general3A_11 = tpu.matmul %get3A_5, %get3A_10, %dot_general3A {dimension_numbers = #tpu.dot_dimension_numbers<[1], [0], [0], [1], [0, 0, 1, 1], [], []>, transpose_lhs_hint = false} : vector<632x128xf32>, vector<128x256xf32>, vector<632x256xf32> -> vector<632x256xf32>
    %get3A_12 = arith.constant 1 : index
    %get3A_13 = arith.constant 0 : index
    %get3A_14 = arith.constant 0 : index
    %get3A_15 = vector.load %arg1[%get3A_12, %get3A_13, %get3A_14] : memref<2x632x128xf32, #tpu.memory_space<vmem>>, vector<1x632x128xf32>
    %get3A_16 = vector.shape_cast %get3A_15 : vector<1x632x128xf32> to vector<632x128xf32>
    %get3A_17 = arith.constant 1 : index
    %get3A_18 = arith.constant 0 : index
    %get3A_19 = arith.constant 0 : index
    %get3A_20 = vector.load %arg2[%get3A_17, %get3A_18, %get3A_19] : memref<2x128x256xf32, #tpu.memory_space<vmem>>, vector<1x128x256xf32>
    %get3A_21 = vector.shape_cast %get3A_20 : vector<1x128x256xf32> to vector<128x256xf32>
    %dot_general3A_22 = arith.constant dense<0.000000e+00> : vector<632x256xf32>
    %dot_general3A_23 = tpu.matmul %get3A_16, %get3A_21, %dot_general3A_22 {dimension_numbers = #tpu.dot_dimension_numbers<[1], [0], [0], [1], [0, 0, 1, 1], [], []>, transpose_lhs_hint = false} : vector<632x128xf32>, vector<128x256xf32>, vector<632x256xf32> -> vector<632x256xf32>
    %add3A = arith.addf %dot_general3A_11, %dot_general3A_23 : vector<632x256xf32>
    %get3A_24 = arith.constant 0 : index
    %get3A_25 = arith.constant 0 : index
    %get3A_26 = vector.load %arg3[%get3A_24, %get3A_25] : memref<1x256xf32, #tpu.memory_space<vmem>>, vector<1x256xf32>
    %add3A_27 = vector.broadcast %get3A_26 : vector<1x256xf32> to vector<632x256xf32>
    %add3A_28 = arith.addf %add3A, %add3A_27 : vector<632x256xf32>
    %max3A = arith.constant 0.000000e+00 : f32
    %max3A_29 = vector.broadcast %max3A : f32 to vector<632x256xf32>
    %max3A_30 = arith.maximumf %add3A_28, %max3A_29 : vector<632x256xf32>
    %get3A_31 = arith.constant 0 : index
    %get3A_32 = arith.constant 0 : index
    %get3A_33 = vector.load %arg4[%get3A_31, %get3A_32] : memref<256x256xf32, #tpu.memory_space<vmem>>, vector<256x256xf32>
    %dot_general3A_34 = arith.constant dense<0.000000e+00> : vector<632x256xf32>
    %dot_general3A_35 = tpu.matmul %max3A_30, %get3A_33, %dot_general3A_34 {dimension_numbers = #tpu.dot_dimension_numbers<[1], [0], [0], [1], [0, 0, 1, 1], [], []>, transpose_lhs_hint = false} : vector<632x256xf32>, vector<256x256xf32>, vector<632x256xf32> -> vector<632x256xf32>
    %get3A_36 = arith.constant 0 : index
    %get3A_37 = arith.constant 0 : index
    %get3A_38 = vector.load %arg5[%get3A_36, %get3A_37] : memref<1x256xf32, #tpu.memory_space<vmem>>, vector<1x256xf32>
    %add3A_39 = vector.broadcast %get3A_38 : vector<1x256xf32> to vector<632x256xf32>
    %add3A_40 = arith.addf %dot_general3A_35, %add3A_39 : vector<632x256xf32>
    %max3A_41 = arith.constant 0.000000e+00 : f32
    %max3A_42 = vector.broadcast %max3A_41 : f32 to vector<632x256xf32>
    %max3A_43 = arith.maximumf %add3A_40, %max3A_42 : vector<632x256xf32>
    %get3A_44 = arith.constant 0 : index
    %get3A_45 = arith.constant 0 : index
    %get3A_46 = arith.constant 0 : index
    %get3A_47 = vector.load %arg6[%get3A_44, %get3A_45, %get3A_46] : memref<1x1x632xi32, #tpu.memory_space<vmem>>, vector<1x1x632xi32>
    %get3A_48 = vector.shape_cast %get3A_47 : vector<1x1x632xi32> to vector<632xi32>
    %iota3A = tpu.iota {dimensions = array<i32: 0>} : vector<64x632xi32>
    %broadcast_in_dim3A = vector.shape_cast %get3A_48 : vector<632xi32> to vector<1x632xi32>
    %eq3A_49 = vector.broadcast %broadcast_in_dim3A : vector<1x632xi32> to vector<64x632xi32>
    %eq3A_50 = arith.cmpi eq, %eq3A_49, %iota3A : vector<64x632xi32>
    %convert_element_type3A_51 = arith.extui %eq3A_50 : vector<64x632xi1> to vector<64x632xi32>
    %convert_element_type3A_52 = arith.sitofp %convert_element_type3A_51 : vector<64x632xi32> to vector<64x632xf32>
    %get3A_53 = arith.constant 0 : index
    %get3A_54 = arith.constant 0 : index
    %get3A_55 = vector.load %arg10[%get3A_53, %get3A_54] : memref<64x256xf32, #tpu.memory_space<vmem>>, vector<64x256xf32>
    %dot_general3A_56 = arith.constant dense<0.000000e+00> : vector<64x256xf32>
    %dot_general3A_57 = tpu.matmul %convert_element_type3A_52, %max3A_43, %dot_general3A_56 {dimension_numbers = #tpu.dot_dimension_numbers<[1], [0], [0], [1], [0, 0, 1, 1], [], []>, transpose_lhs_hint = false} : vector<64x632xf32>, vector<632x256xf32>, vector<64x256xf32> -> vector<64x256xf32>
    %add3A_58 = arith.addf %get3A_55, %dot_general3A_57 : vector<64x256xf32>
    %swap3A = arith.constant 0 : index
    %swap3A_59 = arith.constant 0 : index
    %swap3A_60 = vector.load %arg10[%swap3A, %swap3A_59] : memref<64x256xf32, #tpu.memory_space<vmem>>, vector<64x256xf32>
    tpu.vector_store %arg10[%swap3A, %swap3A_59], %add3A_58 {strides = array<i32>} : memref<64x256xf32, #tpu.memory_space<vmem>>, vector<64x256xf32>,
    %get3A_61 = arith.constant 0 : index
    %get3A_62 = arith.constant 0 : index
    %get3A_63 = vector.load %arg11[%get3A_61, %get3A_62] : memref<64x256xf32, #tpu.memory_space<vmem>>, vector<64x256xf32>
    %reduce_sum3A = arith.constant dense<0.000000e+00> : vector<64xf32>
    %reduce_sum3A_64 = vector.multi_reduction <add>, %convert_element_type3A_52, %reduce_sum3A [1] : vector<64x632xf32> to vector<64xf32>
    %broadcast_in_dim3A_65 = vector.shape_cast %reduce_sum3A_64 : vector<64xf32> to vector<64x1xf32>
    %broadcast_in_dim3A_66 = vector.shape_cast %broadcast_in_dim3A_65 : vector<64x1xf32> to vector<64x1xf32>
    %broadcast_in_dim3A_67 = vector.broadcast %broadcast_in_dim3A_66 : vector<64x1xf32> to vector<64x256xf32>
    %add3A_68 = arith.addf %get3A_63, %broadcast_in_dim3A_67 : vector<64x256xf32>
    %swap3A_69 = arith.constant 0 : index
    %swap3A_70 = arith.constant 0 : index
    %swap3A_71 = vector.load %arg11[%swap3A_69, %swap3A_70] : memref<64x256xf32, #tpu.memory_space<vmem>>, vector<64x256xf32>
    tpu.vector_store %arg11[%swap3A_69, %swap3A_70], %add3A_68 {strides = array<i32>} : memref<64x256xf32, #tpu.memory_space<vmem>>, vector<64x256xf32>,
    %eq3A_72 = arith.constant 15 : i32
    %eq3A_73 = arith.cmpi eq, %arg0, %eq3A_72 : i32
    %convert_element_type3A_74 = arith.extui %eq3A_73 : i1 to i32
    %cond3A_75 = arith.constant 0 : i32
    %cond3A_76 = arith.cmpi ne, %convert_element_type3A_74, %cond3A_75 : i32
    scf.if %cond3A_76 {
      %get3A_77 = arith.constant 0 : index
      %get3A_78 = arith.constant 0 : index
      %get3A_79 = vector.load %arg10[%get3A_77, %get3A_78] : memref<64x256xf32, #tpu.memory_space<vmem>>, vector<64x256xf32>
      %get3A_80 = arith.constant 0 : index
      %get3A_81 = arith.constant 0 : index
      %get3A_82 = vector.load %arg11[%get3A_80, %get3A_81] : memref<64x256xf32, #tpu.memory_space<vmem>>, vector<64x256xf32>
      %max3A_83 = arith.constant 1.000000e+00 : f32
      %max3A_84 = vector.broadcast %max3A_83 : f32 to vector<64x256xf32>
      %max3A_85 = arith.maximumf %get3A_82, %max3A_84 : vector<64x256xf32>
      %div3A = arith.divf %get3A_79, %max3A_85 : vector<64x256xf32>
      %get3A_86 = arith.constant 0 : index
      %get3A_87 = arith.constant 0 : index
      %get3A_88 = vector.load %arg7[%get3A_86, %get3A_87] : memref<256x128xf32, #tpu.memory_space<vmem>>, vector<256x128xf32>
      %dot_general3A_89 = arith.constant dense<0.000000e+00> : vector<64x128xf32>
      %dot_general3A_90 = tpu.matmul %div3A, %get3A_88, %dot_general3A_89 {dimension_numbers = #tpu.dot_dimension_numbers<[1], [0], [0], [1], [0, 0, 1, 1], [], []>, transpose_lhs_hint = false} : vector<64x256xf32>, vector<256x128xf32>, vector<64x128xf32> -> vector<64x128xf32>
      %get3A_91 = arith.constant 0 : index
      %get3A_92 = arith.constant 0 : index
      %get3A_93 = vector.load %arg8[%get3A_91, %get3A_92] : memref<1x128xf32, #tpu.memory_space<vmem>>, vector<1x128xf32>
      %add3A_94 = vector.broadcast %get3A_93 : vector<1x128xf32> to vector<64x128xf32>
      %add3A_95 = arith.addf %dot_general3A_90, %add3A_94 : vector<64x128xf32>
      %swap3A_96 = arith.constant 0 : index
      %swap3A_97 = arith.constant 0 : index
      %swap3A_98 = vector.load %arg9[%swap3A_96, %swap3A_97] : memref<64x128xf32, #tpu.memory_space<vmem>>, vector<64x128xf32>
      tpu.vector_store %arg9[%swap3A_96, %swap3A_97], %add3A_95 {strides = array<i32>} : memref<64x128xf32, #tpu.memory_space<vmem>>, vector<64x128xf32>,
    } else {
    }
    return
  }
  func.func @transform_0(%arg0: i32) -> (i32, i32, i32) {
    %c0_i32 = arith.constant 0 : i32
    %c0_i32_0 = arith.constant 0 : i32
    %c0_i32_1 = arith.constant 0 : i32
    return %c0_i32, %arg0, %c0_i32_0 : i32, i32, i32
  }
  func.func @transform_1(%arg0: i32) -> (i32, i32, i32) {
    %c0_i32 = arith.constant 0 : i32
    %c0_i32_0 = arith.constant 0 : i32
    %c0_i32_1 = arith.constant 0 : i32
    %c0_i32_2 = arith.constant 0 : i32
    return %c0_i32, %c0_i32_0, %c0_i32_1 : i32, i32, i32
  }
  func.func @transform_2(%arg0: i32) -> (i32, i32) {
    %c0_i32 = arith.constant 0 : i32
    %c0_i32_0 = arith.constant 0 : i32
    %c0_i32_1 = arith.constant 0 : i32
    return %c0_i32, %c0_i32_0 : i32, i32
  }
  func.func @transform_3(%arg0: i32) -> (i32, i32) {
    %c0_i32 = arith.constant 0 : i32
    %c0_i32_0 = arith.constant 0 : i32
    %c0_i32_1 = arith.constant 0 : i32
    return %c0_i32, %c0_i32_0 : i32, i32
  }
  func.func @transform_4(%arg0: i32) -> (i32, i32) {
    %c0_i32 = arith.constant 0 : i32
    %c0_i32_0 = arith.constant 0 : i32
    %c0_i32_1 = arith.constant 0 : i32
    return %c0_i32, %c0_i32_0 : i32, i32
  }
  func.func @transform_5(%arg0: i32) -> (i32, i32, i32) {
    %c0_i32 = arith.constant 0 : i32
    %c0_i32_0 = arith.constant 0 : i32
    %c0_i32_1 = arith.constant 0 : i32
    return %arg0, %c0_i32, %c0_i32_0 : i32, i32, i32
  }
  func.func @transform_6(%arg0: i32) -> (i32, i32) {
    %c0_i32 = arith.constant 0 : i32
    %c0_i32_0 = arith.constant 0 : i32
    %c0_i32_1 = arith.constant 0 : i32
    return %c0_i32, %c0_i32_0 : i32, i32
  }
  func.func @transform_7(%arg0: i32) -> (i32, i32) {
    %c0_i32 = arith.constant 0 : i32
    %c0_i32_0 = arith.constant 0 : i32
    %c0_i32_1 = arith.constant 0 : i32
    return %c0_i32, %c0_i32_0 : i32, i32
  }
  func.func @transform_8(%arg0: i32) -> (i32, i32) {
    %c0_i32 = arith.constant 0 : i32
    %c0_i32_0 = arith.constant 0 : i32
    %c0_i32_1 = arith.constant 0 : i32
    return %c0_i32, %c0_i32_0 : i32, i32
  }
}

</mosaic_0001>

<sc_bundles>
// kernel: kernel.11.cloned.1.call-start
scs
__scs_entry_jumppad:
0x0: {  	(pc) =	sbr.rel $0x88, $3  }
0x1: {  	(tag) =	ssettag $0x0;
	lr =	simm.s32 $0x1  }
0x2: {  	[smem:$0x3F90] =	sst lr;
	_ =	strace $0xD0000000  }
0x3: {  	_ = 	snop  }
0x4: {  	_ = 	snop  }
0x5: {  	_ = 	snop  }
0x6: {  	_ = 	snop  }
0x7: {  	_ = 	snop  }
__scs_overlays_trampoline_lowered:
0x8: {  	[smem:$0x3F9F] =	sst s0  }
0x9: {  	[smem:$0x3FA0] =	sst s1  }
0xa: {  	[smem:$0x3FA1] =	sst s2  }
0xb: {  	[smem:$0x3FA2] =	sst s3  }
0xc: {  	[smem:$0x3FA3] =	sst s4  }
0xd: {  	[smem:$0x3FA4] =	sst s5  }
0xe: {  	[smem:$0x3FA5] =	sst s6  }
0xf: {  	[smem:$0x3FA6] =	sst s7  }
0x10: {  	[smem:$0x3FA7] =	sst s8  }
0x11: {  	[smem:$0x3FA8] =	sst s9;
	s0 =	simm.s32 @!p0 $0x0  }
0x12: {  	s1 =	sld [smem:$0x3F8E];
	s0 =	simm.s32 @p0 $0x1  }
0x13: {  	[smem:$0x3FA9] =	sst s0;
	s0 =	simm.s32 @!p1 $0x0  }
0x14: {  	s2 =	sld [smem:$0x3F8D];
	s0 =	simm.s32 @p1 $0x1  }
0x15: {  	[smem:$0x3FAA] =	sst s0;
	s0 =	simm.s32 @!p2 $0x0  }
0x16: {  	s3 =	sld [smem:$0x3FDB];
	s0 =	simm.s32 @p2 $0x1  }
0x17: {  	s4 =	simm.s32 $0x1BF5;
	[smem:$0x3FAC] =	sst s0  }
0x18: {  	s0 =	sld [smem:$0x3F8F];
	_ =	swait.ge [sflag:s4], $0x0  }
0x19: {  	s7 =	sld [smem:$0x3F90]  }
0x1a: {  	s8 =	sadd.s32 $0xFFFFE003, lr  }
0x1b: {  	s9 =	sadd.s32 $0xFFFFFEF7, lr;
	s5 =	simm.s32 $0xFFFFFFFF;
	p2 =	slt.u32 s8, $0xFFFFF086  }
0x1c: {  	p1 =	slt.u32 s9, $0xF7A;
	s5 =	simm.s32 @!p2 $0x0  }
0x1d: {  	s5 =	simm.s32 @p1 $0x1;
	p0 =	seq.s32 s7, s2  }
0x1e: {  	s7 =	smul.u32 @!p0 $0xF7A, s2;
	p2 =	seq.s32 @!p0 s5, $0x0  }
0x1f: {  	s9 =	smul.u32 $0xF7A, s1;
	s8 =	simm.s32 @!p0 $0x1BF5;
	p2 =	por !p2, p0  }
0x20: {  	[sflag:s8] =	ssyncset.s32 @!p0 $0xFFFFF086;
	s6 =	sadd.s32 @!p0 s3, s7;
	s7 =	simm.s32 @!p0 $0x108  }
0x21: {  	s3 =	sadd.s32 s3, s9;
	s6 =	sadd.s32 @!p0 $0x88, s6;
	s7 =	simm.s32 @p2 $0x1082  }
0x22: {  	[simem:s7], [sflag:s8] =	dma.local @!p0 [hbm:s6], $0xF7A  }
0x23: {  	s9 =	sor.u32 $0xD0000000, s2;
	s6 =	simm.s32 $0x108;
	_ =	swait.ge @!p0 [sflag:s8], $0x0  }
0x24: {  	s3 =	sadd.s32 $0x88, s3;
	s6 =	simm.s32 @!p1 $0x1082;
	[sflag:s4] =	ssyncset.s32 $0xFFFFF086  }
0x25: {  	[simem:s6], [sflag:s4] =	dma.local [hbm:s3], $0xF7A  }
0x26: {  	[smem:$0x3F90] =	sst s1;
	(tag) =	ssettag s2;
	_ =	strace s9  }
0x27: {  	s1 =	sld [smem:$0x3FA0]  }
0x28: {  	s2 =	sld [smem:$0x3FA1]  }
0x29: {  	s4 =	sld [smem:$0x3FA3]  }
0x2a: {  	p0 =	seq.s32 s5, $0x0;
	s5 =	sld [smem:$0x3FA4]  }
0x2b: {  	s6 =	sld [smem:$0x3FA5]  }
0x2c: {  	s7 =	sld [smem:$0x3FA6]  }
0x2d: {  	s3 =	simm.s32 $0x108;
	s8 =	sld [smem:$0x3FA7]  }
0x2e: {  	s3 =	simm.s32 @!p0 $0x1082;
	s9 =	sld [smem:$0x3FA8]  }
0x2f: {  	lr =	sadd.s32 s0, s3;
	s0 =	sld [smem:$0x3F9F]  }
0x30: {  	s3 =	sld [smem:$0x3FA2]  }
0x31: {  	[smem:$0x3FAB] =	sst s10  }
0x32: {  	s10 =	sld [smem:$0x3FA9];
	_ =	sdelay $0x3  }
0x33: {  	p0 =	seq.s32 s10, $0x1;
	s10 =	sld [smem:$0x3FAB];
	_ =	sdelay $0x3  }
0x34: {  	[smem:$0x3FAB] =	sst s10  }
0x35: {  	s10 =	sld [smem:$0x3FAA];
	_ =	sdelay $0x3  }
0x36: {  	p1 =	seq.s32 s10, $0x1;
	s10 =	sld [smem:$0x3FAB];
	_ =	sdelay $0x3  }
0x37: {  	[smem:$0x3FAB] =	sst s10  }
0x38: {  	s10 =	sld [smem:$0x3FAC]  }
0x39: {  	_ = 	snop;
	(pc) =	sbr.ind lr, $3  }
0x3a: {  	_ = 	snop  }
0x3b: {  	_ = 	snop  }
0x3c: {  	p2 =	seq.s32 s10, $0x1;
	s10 =	sld [smem:$0x3FAB]  }
0x3d: {  	_ =	shalt  }
0x3e: {  	_ =	shalt  }
0x3f: {  	_ =	shalt  }
0x40: {  	_ =	shalt  }
0x41: {  	_ =	shalt  }
0x42: {  	_ =	shalt  }
0x43: {  	_ =	shalt  }
0x44: {  	_ =	shalt  }
0x45: {  	_ =	shalt  }
0x46: {  	_ =	shalt  }
0x47: {  	_ =	shalt  }
0x48: {  	_ =	shalt  }
0x49: {  	_ =	shalt  }
0x4a: {  	_ =	shalt  }
0x4b: {  	_ =	shalt  }
0x4c: {  	_ =	shalt  }
0x4d: {  	_ =	shalt  }
0x4e: {  	_ =	shalt  }
0x4f: {  	_ =	shalt  }
0x50: {  	_ =	shalt  }
0x51: {  	_ =	shalt  }
0x52: {  	_ =	shalt  }
0x53: {  	_ =	shalt  }
0x54: {  	_ =	shalt  }
0x55: {  	_ =	shalt  }
0x56: {  	_ =	shalt  }
0x57: {  	_ =	shalt  }
0x58: {  	_ =	shalt  }
0x59: {  	_ =	shalt  }
0x5a: {  	_ =	shalt  }
0x5b: {  	_ =	shalt  }
0x5c: {  	_ =	shalt  }
0x5d: {  	_ =	shalt  }
0x5e: {  	_ =	shalt  }
0x5f: {  	_ =	shalt  }
0x60: {  	_ =	shalt  }
0x61: {  	_ =	shalt  }
0x62: {  	_ =	shalt  }
0x63: {  	_ =	shalt  }
0x64: {  	_ =	shalt  }
0x65: {  	_ =	shalt  }
0x66: {  	_ =	shalt  }
0x67: {  	_ =	shalt  }
0x68: {  	_ =	shalt  }
0x69: {  	_ =	shalt  }
0x6a: {  	_ =	shalt  }
0x6b: {  	_ =	shalt  }
0x6c: {  	_ =	shalt  }
0x6d: {  	_ =	shalt  }
0x6e: {  	_ =	shalt  }
0x6f: {  	_ =	shalt  }
0x70: {  	_ =	shalt  }
0x71: {  	_ =	shalt  }
0x72: {  	_ =	shalt  }
0x73: {  	_ =	shalt  }
0x74: {  	_ =	shalt  }
0x75: {  	_ =	shalt  }
0x76: {  	_ =	shalt  }
0x77: {  	_ =	shalt  }
0x78: {  	_ =	shalt  }
0x79: {  	_ =	shalt  }
0x7a: {  	_ =	shalt  }
0x7b: {  	_ =	shalt  }
0x7c: {  	_ =	shalt  }
0x7d: {  	_ =	shalt  }
0x7e: {  	_ =	shalt  }
0x7f: {  	_ =	shalt  }
0x80: {  	_ =	shalt  }
0x81: {  	_ =	shalt  }
0x82: {  	_ =	shalt  }
0x83: {  	_ =	shalt  }
0x84: {  	_ =	shalt  }
0x85: {  	_ =	shalt  }
0x86: {  	_ =	shalt  }
0x87: {  	_ =	shalt  }
.Lfunc_end0:
.L_simem_size_0:
called_computation.1_lowered:
.L_overlay_start_0:
0x88: {  	s2 =	sld [smem:$0x3FD9]  }
0x89: {  	s3 =	sld [smem:$0x3FFE];
	_ =	sdelay $0x1  }
0x8a: {  	s1 =	srdreg.scid  }
0x8b: {  	s0 =	sand.u32 $0x1, s1  }
0x8c: {  	s16 =	sshll.u32 s0, $0xA;
	s2 =	sadd.s32 s3, s2  }
0x8d: {  	s2 =	sadd.s32 s2, s16  }
0x8e: {  	[smem:$0x3FB7] =	sst s2  }
0x8f: {  	_ = 	snop  }
0x90: {  	(tm) =	ssettm $0x1  }
0x91: {  	s17 =	sld [smem:$0x3FFB];
	_ =	sdelay $0x3  }
0x92: {  	_ =	strace s17  }
0x93: {  	s2 =	sld [smem:$0x3FFC];
	_ =	sdelay $0x3  }
0x94: {  	_ =	strace s2  }
0x95: {  	s2 =	sld [smem:$0x3FFD];
	_ =	sdelay $0x3  }
0x96: {  	_ =	strace s2  }
0x97: {  	_ =	strace $0x8FFFFFFF  }
0x98: {  	s18 =	sld [smem:$0x3FDB];
	_ =	sdelay $0x1  }
0x99: {  	s19 =	simm.s32 $_scs_section_size  }
0x9a: {  	s4 =	simm.s32 $_size__tile_overlayer_lowered;
	s5 =	simm.s32 $_tile_overlayer_lowered  }
0x9b: {  	s22 =	simm.s32 $0x1BFF;
	s21 =	sshll.u32 s5, $0x1;
	s2 =	sadd.s32 s19, s18  }
0x9c: {  	s6 =	simm.s32 $0x0;
	s20 =	sshll.u32 s4, $0x1;
	s4 =	sadd.s32 s21, s2  }
0x9d: {  	[timem:s6], [sflag:s22] =	dma.local [hbm:s4], s20  }
0x9e: {  	_ =	swait.ge [sflag:s22], s20  }
0x9f: {  	s3 =	ssub.s32 $0x0, s20;
	[sflag:s22] =	ssyncset.done $0x0  }
0xa0: {  	[sflag:s22] =	ssyncadd.s32 s3;
	_ =	sdelay $0x1  }
0xa1: {  	s23 =	simm.s32 $0x1B8B  }
0xa2: {  	_ =	swait.ge [sflag:s23], $0x1  }
0xa3: {  	[sflag:s23] =	ssyncset.done $0x0  }
0xa4: {  	s25 =	simm.s32 $0x1B8E;
	s24 =	sld [smem:$0x3FFE];
	[sflag:s23] =	ssyncadd.s32 $0xFFFFFFFF  }
0xa5: {  	s26 =	simm.s32 $execute0_lowered;
	[smem:$0x3FD2] =	sst s25  }
0xa6: {  	s4 =	sshll.u32 s26, $0x1;
	_ =	strace $0x80000049;
	[dreg:$0x1] =	wrdreg $0xFFFFFFFF  }
0xa7: {  	s28 =	simm.s32 $_size_execute0_lowered;
	s2 =	sadd.s32 s2, s4;
	[dreg:$0x0] =	wrdreg $0x0  }
0xa8: {  	s4 =	sshll.u32 s28, $0x1;
	[dreg:$0x2] =	wrdreg s2  }
0xa9: {  	[dreg:$0x3] =	wrdreg s4  }
0xaa: {  	[dreg:$0x4] =	wrdreg $0xC0  }
0xab: {  	_ =	task [dreg:s6], $0x5FFFF  }
0xac: {  	[dreg:$0x1] =	wrdreg $0xFFFFFFFF  }
0xad: {  	[dreg:$0x0] =	wrdreg $0x60  }
0xae: {  	[dreg:$0x2] =	wrdreg s24  }
0xaf: {  	[dreg:$0x3] =	wrdreg $0x82000  }
0xb0: {  	[dreg:$0x4] =	wrdreg $0x9  }
0xb1: {  	_ =	task.clear_ibuf [dreg:s6], $0x5FFFF;
	_ =	strace $0x90000049  }
0xb2: {  	s29 =	simm.s32 $0x9;
	_ =	strace $0x8000004B  }
0xb3: {  	_ =	swait.ge [sflag:s29], $0x1  }
0xb4: {  	[sflag:s29] =	ssyncadd.s32 $0xFFFFFFFF  }
0xb5: {  	_ =	strace $0x9000004B  }
0xb6: {  	_ =	sfence  }
0xb7: {  	s30 =	sld [smem:$0x0];
	_ =	sdelay $0x2  }
0xb8: {  	s31 =	sshll.u32 s1, $0xD;
	s1 =	sshrl.u32 s1, $0x2  }
0xb9: {  	s3 =	sand.u32 $0x4000, s31;
	s1 =	sadd.s32 s1, s30  }
0xba: {  	s0 =	sor.u32 s3, s0;
	s1 =	sshll.u32 s1, $0x11  }
0xbb: {  	s0 =	sor.u32 s1, s0  }
0xbc: {  	s0 =	sadd.s32 $0x8F2B, s0  }
0xbd: {  	[sflag:s0] =	ssyncadd.remote.s32 $0x1  }
0xbe: {  	_ =	sfence.sel $0xFFFF  }
0xbf: {  	[dreg:$0x0] =	wrdreg $0xFFFFFFFF;
	(pc) =	sbr.abs _section_cstart, $3  }
0xc0: {  	[dreg:$0x1] =	wrdreg $0xFFFFFFFF  }
0xc1: {  	_ =	task.clear_ibuf [dreg:s6], $0x2FFFF;
	_ =	strace $0x9FFFFFFF  }
0xc2: {  	(tm) =	ssettm $0x7FFFFFFF  }
0xc3: {  	_ =	shalt  }
tec
execute0_lowered:
.L_overlay_start_1:
0x0: {  	(tag) =	ssettag $0x1  }
0x1: {  	s6 =	rddreg [dreg:$0x0]  }
0x2: {  	s1 =	rddreg [dreg:$0x1];
	s3 =	simm.s32 $0x0;
	s2 =	srdreg.scid  }
0x3: {  	s0 =	stileid.u32;
	s19 =	simm.s32 $0x80;
	s20 =	simm.s32 $0x100  }
0x4: {  	s21 =	simm.s32 $0x4100;
	s22 =	simm.s32 $0x4180;
	s9 =	smul.u32 $0x278, s0  }
0x5: {  	s23 =	simm.s32 $0x4200;
	s24 =	simm.s32 $0x1;
	s10 =	smul.u32 $0x4F000, s0  }
0x6: {  	[smem:$0x7FF] =	sst s3;
	s7 =	sand.u32 $0x1, s2;
	s11 =	smul.u32 $0x4F00, s0  }
0x7: {  	s4 =	sadd.s32 $0x17200, s6;
	s5 =	sadd.s32 $0x90200, s6;
	s15 =	smul.u32 $0x9E0, s0  }
0x8: {  	s14 =	sadd.s32 $0xD400, s6;
	s28 =	sshll.u32 s0, $0x6;
	s8 =	smul.u32 $0x2780, s7  }
0x9: {  	_ =	strace $0x8000004A;
	s25 =	smul.u32 $0x4F000, s7;
	s7 =	ssub.s32 $0x2, s7  }
0xa: {  	s26 =	sshrl.u32 s7, $0x1;
	s10 =	sshrl.u32 s10, $0x2;
	s30 =	sshrl.u32 s11, $0x3  }
0xb: {  	s8 =	sadd.s32 s9, s8;
	s13 =	ssub.s32 s7, s26;
	s17 =	sadd.s32 s10, s1  }
0xc: {  	s16 =	sadd.s32 s11, s25;
	s7 =	sor.u32 $0x1C03, s28;
	s9 =	sadd.s32 s14, s30  }
0xd: {  	s14 =	sadd.s32 s15, s14;
	s25 =	simm.s32 $0x2;
	s26 =	simm.s32 $0x0  }
0xe: {  	s8 =	sshll.u32 s8, $0x4;
	s29 =	sshrl.u32 s16, $0x3;
	s11 =	smax.u32 s13, $0x1  }
0xf: {  	s18 =	sor.u32 $0x80, s16;
	s13 =	sadd.s32 $0x9D0, s9;
	s16 =	sadd.s32 $0x100, s16  }
0x10: {  	s17 =	sshrl.u32 s17, $0x3;
	s12 =	sadd.s32 s8, s6;
	s6 =	sadd.s32 s4, s8  }
0x11: {  	s8 =	sadd.s32 s5, s29;
	s31 =	sshrl.u32 s18, $0x3;
	s18 =	simm.s32 $0x3  }
0x12: {  	s10 =	sadd.s32 $0xA3E00, s12;
	s12 =	sadd.s32 $0x9D0, s8;
	s15 =	sadd.s32 s31, s5  }
.LBB2_1:
0x13: {  	[spmem:s17], [sflag:s7] =	dma.local [hbm:s6], $0x2780  }
0x14: {  	_ =	swait.ge [sflag:s18], $0x2780  }
0x15: {  	[sflag:s18] =	ssyncset.done $0x0  }
0x16: {  	[sflag:s18] =	ssyncadd.s32 $0xFFFFD880  }
0x17: {  	[bflag:$0x0] =	sbarrier.arrive $0xFFFF  }
0x18: {  	[tilespmem:s3], [sflag:$0x3] =	stream.linear.gather [hbm4b:s8+s3], $0x80, $0x38;
	[tilespmem:$0x1BE00] =	vst v63  }
0x19: {  	_ =	swait.ge [sflag:s18], $0x80  }
0x1a: {  	[sflag:s18] =	ssyncset.done $0x0  }
0x1b: {  	[sflag:s18] =	ssyncadd.s32 $0xFFFFFF80  }
0x1c: {  	[tilespmem:s19], [sflag:$0x3] =	stream.linear.gather [hbm4b:s9+s3], $0x80, $0x38;
	[tilespmem:$0x1BE00] =	vst v63  }
0x1d: {  	_ =	swait.ge [sflag:s18], $0x80  }
0x1e: {  	[sflag:s18] =	ssyncset.done $0x0  }
0x1f: {  	[sflag:s18] =	ssyncadd.s32 $0xFFFFFF80  }
0x20: {  	[tilespmem:s20], [sflag:$0x1] =	stream.indirect.gather [hbm4b:s4+s19], $0x80, s3, s19, $0xb8;
	[tilespmem:$0x1BE00] =	vst v63  }
0x21: {  	s28 =	sadd.s32 $0x0, s15  }
0x22: {  	[tilespmem:s21], [sflag:$0x3] =	stream.linear.gather [hbm4b:s28+s3], $0x80, $0x38;
	[tilespmem:$0x1BE00] =	vst v63  }
0x23: {  	_ =	swait.ge [sflag:s18], $0x80  }
0x24: {  	s28 =	sadd.s32 $0x0, s14;
	[sflag:s18] =	ssyncset.done $0x0  }
0x25: {  	s29 =	sadd.s32 $0x10, s28;
	[sflag:s18] =	ssyncadd.s32 $0xFFFFFF80  }
0x26: {  	[tilespmem:s22], [sflag:$0x3] =	stream.linear.gather [hbm4b:s29+s3], $0x80, $0x38;
	[tilespmem:$0x1BE00] =	vst v63  }
0x27: {  	_ =	swait.ge [sflag:s18], $0x80  }
0x28: {  	[sflag:s18] =	ssyncset.done $0x0  }
0x29: {  	[sflag:s18] =	ssyncadd.s32 $0xFFFFFF80  }
0x2a: {  	[tilespmem:s23], [sflag:$0x2] =	stream.indirect.gather [hbm4b:s4+s19], $0x80, s21, s19, $0xb8;
	[tilespmem:$0x1BE00] =	vst v63  }
0x2b: {  	_ =	swait.ge [sflag:s24], $0x4000  }
0x2c: {  	[sflag:s24] =	ssyncset.done $0x0  }
0x2d: {  	[sflag:s24] =	ssyncadd.s32 $0xFFFFC000  }
0x2e: {  	[spmem:s1] =	stream.indirect.scatter.add.f32 [tilespmem:s20], [sflag:$0x3], $0x80, s19, s19, $0xb8;
	[tilespmem:$0x1BE00] =	vst v63  }
0x2f: {  	_ =	swait.ge [sflag:s18], $0x4000  }
0x30: {  	s29 =	sshrl.u32 s16, $0x3;
	[sflag:s18] =	ssyncset.done $0x0  }
0x31: {  	s29 =	sadd.s32 s5, s29;
	[sflag:s18] =	ssyncadd.s32 $0xFFFFC000  }
0x32: {  	[tilespmem:s3], [sflag:$0x3] =	stream.linear.gather [hbm4b:s29+s3], $0x80, $0x38;
	[tilespmem:$0x1BE00] =	vst v63  }
0x33: {  	_ =	swait.ge [sflag:s18], $0x80  }
0x34: {  	[sflag:s18] =	ssyncset.done $0x0  }
0x35: {  	s28 =	sadd.s32 $0x20, s28;
	[sflag:s18] =	ssyncadd.s32 $0xFFFFFF80  }
0x36: {  	[tilespmem:s19], [sflag:$0x3] =	stream.linear.gather [hbm4b:s28+s3], $0x80, $0x38;
	[tilespmem:$0x1BE00] =	vst v63  }
0x37: {  	_ =	swait.ge [sflag:s18], $0x80  }
0x38: {  	[sflag:s18] =	ssyncset.done $0x0  }
0x39: {  	[sflag:s18] =	ssyncadd.s32 $0xFFFFFF80  }
0x3a: {  	[tilespmem:s20], [sflag:$0x1] =	stream.indirect.gather [hbm4b:s4+s19], $0x80, s3, s19, $0xb8;
	[tilespmem:$0x1BE00] =	vst v63  }
0x3b: {  	_ =	swait.ge [sflag:s25], $0x4000  }
0x3c: {  	[sflag:s25] =	ssyncset.done $0x0  }
0x3d: {  	[sflag:s25] =	ssyncadd.s32 $0xFFFFC000  }
0x3e: {  	[spmem:s1] =	stream.indirect.scatter.add.f32 [tilespmem:s23], [sflag:$0x3], $0x80, s22, s19, $0xb8;
	[tilespmem:$0x1BE00] =	vst v63  }
0x3f: {  	s31 =	simm.s32 $0x40;
	_ =	swait.ge [sflag:s18], $0x4000  }
0x40: {  	s29 =	simm.s32 $0x20;
	s28 =	sadd.s32 $0x100, s16;
	[sflag:s18] =	ssyncset.done $0x0  }
.LBB2_2:
0x41: {  	s0 =	sadd.s32 s29, s15  }
0x42: {  	[sflag:s18] =	ssyncadd.s32 $0xFFFFC000;
	s2 =	smov.u32 s31;
	s30 =	sadd.s32 $0x20, s31  }
0x43: {  	[tilespmem:s21], [sflag:$0x3] =	stream.linear.gather [hbm4b:s0+s3], $0x80, $0x38;
	[tilespmem:$0x1BE00] =	vst v63  }
0x44: {  	p0 =	sne.s32 s31, $0x9A0;
	_ =	swait.ge [sflag:s18], $0x80  }
0x45: {  	s0 =	sadd.s32 s29, s14;
	s29 =	smov.u32 s2;
	[sflag:s18] =	ssyncset.done $0x0  }
0x46: {  	s2 =	sadd.s32 $0x10, s0;
	[sflag:s18] =	ssyncadd.s32 $0xFFFFFF80  }
0x47: {  	[tilespmem:s22], [sflag:$0x3] =	stream.linear.gather [hbm4b:s2+s3], $0x80, $0x38;
	[tilespmem:$0x1BE00] =	vst v63  }
0x48: {  	_ =	swait.ge [sflag:s18], $0x80  }
0x49: {  	[sflag:s18] =	ssyncset.done $0x0  }
0x4a: {  	[sflag:s18] =	ssyncadd.s32 $0xFFFFFF80  }
0x4b: {  	[tilespmem:s23], [sflag:$0x2] =	stream.indirect.gather [hbm4b:s4+s19], $0x80, s21, s19, $0xb8;
	[tilespmem:$0x1BE00] =	vst v63  }
0x4c: {  	_ =	swait.ge [sflag:s24], $0x4000  }
0x4d: {  	[sflag:s24] =	ssyncset.done $0x0  }
0x4e: {  	[sflag:s24] =	ssyncadd.s32 $0xFFFFC000  }
0x4f: {  	[spmem:s1] =	stream.indirect.scatter.add.f32 [tilespmem:s20], [sflag:$0x3], $0x80, s19, s19, $0xb8;
	[tilespmem:$0x1BE00] =	vst v63  }
0x50: {  	_ =	swait.ge [sflag:s18], $0x4000  }
0x51: {  	s2 =	sshrl.u32 s28, $0x3;
	[sflag:s18] =	ssyncset.done $0x0  }
0x52: {  	s2 =	sadd.s32 s5, s2;
	[sflag:s18] =	ssyncadd.s32 $0xFFFFC000  }
0x53: {  	[tilespmem:s3], [sflag:$0x3] =	stream.linear.gather [hbm4b:s2+s3], $0x80, $0x38;
	[tilespmem:$0x1BE00] =	vst v63  }
0x54: {  	_ =	swait.ge [sflag:s18], $0x80  }
0x55: {  	[sflag:s18] =	ssyncset.done $0x0  }
0x56: {  	s0 =	sadd.s32 $0x20, s0;
	[sflag:s18] =	ssyncadd.s32 $0xFFFFFF80  }
0x57: {  	[tilespmem:s19], [sflag:$0x3] =	stream.linear.gather [hbm4b:s0+s3], $0x80, $0x38;
	[tilespmem:$0x1BE00] =	vst v63  }
0x58: {  	_ =	swait.ge [sflag:s18], $0x80  }
0x59: {  	[sflag:s18] =	ssyncset.done $0x0  }
0x5a: {  	[sflag:s18] =	ssyncadd.s32 $0xFFFFFF80  }
0x5b: {  	[tilespmem:s20], [sflag:$0x1] =	stream.indirect.gather [hbm4b:s4+s19], $0x80, s3, s19, $0xb8;
	[tilespmem:$0x1BE00] =	vst v63  }
0x5c: {  	_ =	swait.ge [sflag:s25], $0x4000  }
.Ltmp0:
0x5d: {  	[sflag:s25] =	ssyncset.done $0x0;
	(pc) =	sbr.rel @p0 .LBB2_2-.Ltmp0, $4  }
0x5e: {  	[sflag:s25] =	ssyncadd.s32 $0xFFFFC000  }
0x5f: {  	[spmem:s1] =	stream.indirect.scatter.add.f32 [tilespmem:s23], [sflag:$0x3], $0x80, s22, s19, $0xb8;
	[tilespmem:$0x1BE00] =	vst v63  }
0x60: {  	_ =	swait.ge [sflag:s18], $0x4000  }
0x61: {  	s31 =	smov.u32 s30;
	s28 =	sadd.s32 $0x100, s28;
	[sflag:s18] =	ssyncset.done $0x0  }
0x62: {  	s0 =	sadd.s32 s29, s15;
	[sflag:s18] =	ssyncadd.s32 $0xFFFFC000  }
0x63: {  	[tilespmem:s21], [sflag:$0x3] =	stream.linear.gather [hbm4b:s0+s3], $0x80, $0x38;
	[tilespmem:$0x1BE00] =	vst v63  }
0x64: {  	_ =	swait.ge [sflag:s18], $0x80  }
0x65: {  	s30 =	sadd.s32 s29, s14;
	[sflag:s18] =	ssyncset.done $0x0  }
0x66: {  	s2 =	sadd.s32 $0x10, s30;
	[sflag:s18] =	ssyncadd.s32 $0xFFFFFF80  }
0x67: {  	[tilespmem:s22], [sflag:$0x3] =	stream.linear.gather [hbm4b:s2+s3], $0x80, $0x38;
	[tilespmem:$0x1BE00] =	vst v63  }
0x68: {  	_ =	swait.ge [sflag:s18], $0x80  }
0x69: {  	[sflag:s18] =	ssyncset.done $0x0  }
0x6a: {  	[sflag:s18] =	ssyncadd.s32 $0xFFFFFF80  }
0x6b: {  	[tilespmem:s23], [sflag:$0x2] =	stream.indirect.gather [hbm4b:s4+s19], $0x80, s21, s19, $0xb8;
	[tilespmem:$0x1BE00] =	vst v63  }
0x6c: {  	_ =	swait.ge [sflag:s24], $0x4000  }
0x6d: {  	[sflag:s24] =	ssyncset.done $0x0  }
0x6e: {  	[sflag:s24] =	ssyncadd.s32 $0xFFFFC000  }
0x6f: {  	[spmem:s1] =	stream.indirect.scatter.add.f32 [tilespmem:s20], [sflag:$0x3], $0x80, s19, s19, $0xb8;
	[tilespmem:$0x1BE00] =	vst v63  }
0x70: {  	_ =	swait.ge [sflag:s18], $0x4000  }
0x71: {  	s31 =	sshrl.u32 s28, $0x3;
	[sflag:s18] =	ssyncset.done $0x0  }
0x72: {  	s2 =	sadd.s32 s5, s31;
	[sflag:s18] =	ssyncadd.s32 $0xFFFFC000  }
0x73: {  	[tilespmem:s3], [sflag:$0x3] =	stream.linear.gather [hbm4b:s2+s3], $0x80, $0x38;
	[tilespmem:$0x1BE00] =	vst v63  }
0x74: {  	_ =	swait.ge [sflag:s18], $0x80  }
0x75: {  	[sflag:s18] =	ssyncset.done $0x0  }
0x76: {  	s0 =	sadd.s32 $0x20, s30;
	[sflag:s18] =	ssyncadd.s32 $0xFFFFFF80  }
0x77: {  	[tilespmem:s19], [sflag:$0x3] =	stream.linear.gather [hbm4b:s0+s3], $0x80, $0x38;
	[tilespmem:$0x1BE00] =	vst v63  }
0x78: {  	_ =	swait.ge [sflag:s18], $0x80  }
0x79: {  	[sflag:s18] =	ssyncset.done $0x0  }
0x7a: {  	[sflag:s18] =	ssyncadd.s32 $0xFFFFFF80  }
0x7b: {  	[tilespmem:s20], [sflag:$0x1] =	stream.indirect.gather [hbm4b:s4+s19], $0x80, s3, s19, $0xb8;
	[tilespmem:$0x1BE00] =	vst v63  }
0x7c: {  	_ =	swait.ge [sflag:s25], $0x4000  }
0x7d: {  	[sflag:s25] =	ssyncset.done $0x0  }
0x7e: {  	[sflag:s25] =	ssyncadd.s32 $0xFFFFC000  }
0x7f: {  	[spmem:s1] =	stream.indirect.scatter.add.f32 [tilespmem:s23], [sflag:$0x3], $0x80, s22, s19, $0xb8;
	[tilespmem:$0x1BE00] =	vst v63  }
0x80: {  	_ =	swait.ge [sflag:s18], $0x4000  }
0x81: {  	[sflag:s18] =	ssyncset.done $0x0  }
0x82: {  	[sflag:s18] =	ssyncadd.s32 $0xFFFFC000  }
0x83: {  	[tilespmem:s21], [sflag:$0x3] =	stream.linear.gather [hbm4b:s12+s3], $0x80, $0x38;
	[tilespmem:$0x1BE00] =	vst v63  }
0x84: {  	_ =	swait.ge [sflag:s18], $0x80  }
0x85: {  	[sflag:s18] =	ssyncset.done $0x0  }
0x86: {  	[sflag:s18] =	ssyncadd.s32 $0xFFFFFF80  }
0x87: {  	[tilespmem:s22], [sflag:$0x3] =	stream.linear.gather [hbm4b:s13+s3], $0x80, $0x38;
	[tilespmem:$0x1BE00] =	vst v63  }
0x88: {  	_ =	swait.ge [sflag:s18], $0x80  }
0x89: {  	[sflag:s18] =	ssyncset.done $0x0  }
0x8a: {  	[sflag:s18] =	ssyncadd.s32 $0xFFFFFF80  }
0x8b: {  	[tilespmem:s23], [sflag:$0x2] =	stream.indirect.gather [hbm4b:s4+s19], $0x80, s21, s19, $0xb8;
	[tilespmem:$0x1BE00] =	vst v63  }
0x8c: {  	_ =	swait.ge [sflag:s24], $0x4000  }
0x8d: {  	[sflag:s24] =	ssyncset.done $0x0  }
0x8e: {  	[sflag:s24] =	ssyncadd.s32 $0xFFFFC000  }
0x8f: {  	[spmem:s1] =	stream.indirect.scatter.add.f32 [tilespmem:s20], [sflag:$0x3], $0x80, s19, s19, $0xb8;
	[tilespmem:$0x1BE00] =	vst v63  }
0x90: {  	_ =	swait.ge [sflag:s18], $0x4000  }
0x91: {  	[sflag:s18] =	ssyncset.done $0x0  }
0x92: {  	[sflag:s18] =	ssyncadd.s32 $0xFFFFC000  }
0x93: {  	_ =	swait.ge [sflag:s25], $0x4000  }
0x94: {  	[sflag:s25] =	ssyncset.done $0x0  }
0x95: {  	[sflag:s25] =	ssyncadd.s32 $0xFFFFC000  }
0x96: {  	[spmem:s1] =	stream.indirect.scatter.add.f32 [tilespmem:s23], [sflag:$0x3], $0x80, s22, s19, $0xb8;
	[tilespmem:$0x1BE00] =	vst v63  }
0x97: {  	_ =	swait.ge [sflag:s18], $0x4000  }
0x98: {  	s26 =	sadd.s32 $0x1, s26;
	[sflag:s18] =	ssyncset.done $0x0  }
0x99: {  	p0 =	sne.s32 s26, s11;
	[sflag:s18] =	ssyncadd.s32 $0xFFFFC000  }
.Ltmp1:
0x9a: {  	[bflag:$0x0] =	sbarrier.arrive $0xFFFF;
	(pc) =	sbr.rel @p0 .LBB2_1-.Ltmp1, $4  }
0x9b: {  	[hbm:s10], [sflag:s7] =	dma.local [spmem:s17], $0x2780  }
0x9c: {  	_ =	swait.ge [sflag:s18], $0x2780  }
0x9d: {  	[sflag:s18] =	ssyncset.done $0x0  }
0x9e: {  	[sflag:s18] =	ssyncadd.s32 $0xFFFFD880  }
0x9f: {  	_ =	sfence.sel $0x180000  }
0xa0: {  	[bflag:$0x0] =	sbarrier.arrive $0xFFFF  }
0xa1: {  	_ =	strace $0x9000004A  }
0xa2: {  	s0 =	stileid.u32;
	[bflag:$0x2] =	sbarrier.arrive $0xFFFF  }
0xa3: {  	p0 =	sne.s32 s0, $0x0;
	s0 =	rddreg [dreg:$0x2]  }
0xa4: {  	s0 =	sadd.s32 @!p0 $0x100000, s0  }
0xa5: {  	[sflag:s0] =	ssyncadd.tile.s32 @!p0 $0x1;
	_ =	shalt  }
.Lfunc_end2:
_tile_overlayer_lowered:
.L_overlay_start_2:
0xa6: {  	(tag) =	ssettag $0x2  }
0xa7: {  	s0 =	rddreg [dreg:$0x0];
	s2 =	stileid.u32  }
0xa8: {  	s1 =	rddreg [dreg:$0x1];
	p0 =	sne.s32 s2, $0x0  }
0xa9: {  	s3 =	rddreg [dreg:$0x2];
	[bflag:$0x3] =	sbarrier.arrive $0xFFFF;
	s2 =	simm.s32 @!p0 $0x1C03  }
0xaa: {  	[timem:s3], [sflag:s2] =	dma.local @!p0 [hbm:s0], s1  }
0xab: {  	s0 =	simm.s32 @!p0 $0x3  }
0xac: {  	_ =	swait.ge @!p0 [sflag:s0], s1  }
0xad: {  	s1 =	ssub.s32 @!p0 $0x0, s1;
	[sflag:s0] =	ssyncset.done @!p0 $0x0  }
0xae: {  	[sflag:s0] =	ssyncadd.s32 @!p0 s1  }
0xaf: {  	[bflag:$0x3] =	sbarrier.arrive $0xFFFF  }
0xb0: {  	_ =	shalt  }

// kernel: kernel.14.cloned.1.call-start
scs
__scs_entry_jumppad:
0x0: {  	(pc) =	sbr.rel $0x88, $3  }
0x1: {  	(tag) =	ssettag $0x0;
	lr =	simm.s32 $0x1  }
0x2: {  	[smem:$0x3F90] =	sst lr;
	_ =	strace $0xD0000000  }
0x3: {  	_ = 	snop  }
0x4: {  	_ = 	snop  }
0x5: {  	_ = 	snop  }
0x6: {  	_ = 	snop  }
0x7: {  	_ = 	snop  }
__scs_overlays_trampoline_lowered:
0x8: {  	[smem:$0x3F9F] =	sst s0  }
0x9: {  	[smem:$0x3FA0] =	sst s1  }
0xa: {  	[smem:$0x3FA1] =	sst s2  }
0xb: {  	[smem:$0x3FA2] =	sst s3  }
0xc: {  	[smem:$0x3FA3] =	sst s4  }
0xd: {  	[smem:$0x3FA4] =	sst s5  }
0xe: {  	[smem:$0x3FA5] =	sst s6  }
0xf: {  	[smem:$0x3FA6] =	sst s7  }
0x10: {  	[smem:$0x3FA7] =	sst s8  }
0x11: {  	[smem:$0x3FA8] =	sst s9;
	s0 =	simm.s32 @!p0 $0x0  }
0x12: {  	s1 =	sld [smem:$0x3F8E];
	s0 =	simm.s32 @p0 $0x1  }
0x13: {  	[smem:$0x3FA9] =	sst s0;
	s0 =	simm.s32 @!p1 $0x0  }
0x14: {  	s2 =	sld [smem:$0x3F8D];
	s0 =	simm.s32 @p1 $0x1  }
0x15: {  	[smem:$0x3FAA] =	sst s0;
	s0 =	simm.s32 @!p2 $0x0  }
0x16: {  	s3 =	sld [smem:$0x3FDB];
	s0 =	simm.s32 @p2 $0x1  }
0x17: {  	s4 =	simm.s32 $0x1BF5;
	[smem:$0x3FAC] =	sst s0  }
0x18: {  	s0 =	sld [smem:$0x3F8F];
	_ =	swait.ge [sflag:s4], $0x0  }
0x19: {  	s7 =	sld [smem:$0x3F90]  }
0x1a: {  	s8 =	sadd.s32 $0xFFFFE003, lr  }
0x1b: {  	s9 =	sadd.s32 $0xFFFFFEF7, lr;
	s5 =	simm.s32 $0xFFFFFFFF;
	p2 =	slt.u32 s8, $0xFFFFF086  }
0x1c: {  	p1 =	slt.u32 s9, $0xF7A;
	s5 =	simm.s32 @!p2 $0x0  }
0x1d: {  	s5 =	simm.s32 @p1 $0x1;
	p0 =	seq.s32 s7, s2  }
0x1e: {  	s7 =	smul.u32 @!p0 $0xF7A, s2;
	p2 =	seq.s32 @!p0 s5, $0x0  }
0x1f: {  	s9 =	smul.u32 $0xF7A, s1;
	s8 =	simm.s32 @!p0 $0x1BF5;
	p2 =	por !p2, p0  }
0x20: {  	[sflag:s8] =	ssyncset.s32 @!p0 $0xFFFFF086;
	s6 =	sadd.s32 @!p0 s3, s7;
	s7 =	simm.s32 @!p0 $0x108  }
0x21: {  	s3 =	sadd.s32 s3, s9;
	s6 =	sadd.s32 @!p0 $0x88, s6;
	s7 =	simm.s32 @p2 $0x1082  }
0x22: {  	[simem:s7], [sflag:s8] =	dma.local @!p0 [hbm:s6], $0xF7A  }
0x23: {  	s9 =	sor.u32 $0xD0000000, s2;
	s6 =	simm.s32 $0x108;
	_ =	swait.ge @!p0 [sflag:s8], $0x0  }
0x24: {  	s3 =	sadd.s32 $0x88, s3;
	s6 =	simm.s32 @!p1 $0x1082;
	[sflag:s4] =	ssyncset.s32 $0xFFFFF086  }
0x25: {  	[simem:s6], [sflag:s4] =	dma.local [hbm:s3], $0xF7A  }
0x26: {  	[smem:$0x3F90] =	sst s1;
	(tag) =	ssettag s2;
	_ =	strace s9  }
0x27: {  	s1 =	sld [smem:$0x3FA0]  }
0x28: {  	s2 =	sld [smem:$0x3FA1]  }
0x29: {  	s4 =	sld [smem:$0x3FA3]  }
0x2a: {  	p0 =	seq.s32 s5, $0x0;
	s5 =	sld [smem:$0x3FA4]  }
0x2b: {  	s6 =	sld [smem:$0x3FA5]  }
0x2c: {  	s7 =	sld [smem:$0x3FA6]  }
0x2d: {  	s3 =	simm.s32 $0x108;
	s8 =	sld [smem:$0x3FA7]  }
0x2e: {  	s3 =	simm.s32 @!p0 $0x1082;
	s9 =	sld [smem:$0x3FA8]  }
0x2f: {  	lr =	sadd.s32 s0, s3;
	s0 =	sld [smem:$0x3F9F]  }
0x30: {  	s3 =	sld [smem:$0x3FA2]  }
0x31: {  	[smem:$0x3FAB] =	sst s10  }
0x32: {  	s10 =	sld [smem:$0x3FA9];
	_ =	sdelay $0x3  }
0x33: {  	p0 =	seq.s32 s10, $0x1;
	s10 =	sld [smem:$0x3FAB];
	_ =	sdelay $0x3  }
0x34: {  	[smem:$0x3FAB] =	sst s10  }
0x35: {  	s10 =	sld [smem:$0x3FAA];
	_ =	sdelay $0x3  }
0x36: {  	p1 =	seq.s32 s10, $0x1;
	s10 =	sld [smem:$0x3FAB];
	_ =	sdelay $0x3  }
0x37: {  	[smem:$0x3FAB] =	sst s10  }
0x38: {  	s10 =	sld [smem:$0x3FAC]  }
0x39: {  	_ = 	snop;
	(pc) =	sbr.ind lr, $3  }
0x3a: {  	_ = 	snop  }
0x3b: {  	_ = 	snop  }
0x3c: {  	p2 =	seq.s32 s10, $0x1;
	s10 =	sld [smem:$0x3FAB]  }
0x3d: {  	_ =	shalt  }
0x3e: {  	_ =	shalt  }
0x3f: {  	_ =	shalt  }
0x40: {  	_ =	shalt  }
0x41: {  	_ =	shalt  }
0x42: {  	_ =	shalt  }
0x43: {  	_ =	shalt  }
0x44: {  	_ =	shalt  }
0x45: {  	_ =	shalt  }
0x46: {  	_ =	shalt  }
0x47: {  	_ =	shalt  }
0x48: {  	_ =	shalt  }
0x49: {  	_ =	shalt  }
0x4a: {  	_ =	shalt  }
0x4b: {  	_ =	shalt  }
0x4c: {  	_ =	shalt  }
0x4d: {  	_ =	shalt  }
0x4e: {  	_ =	shalt  }
0x4f: {  	_ =	shalt  }
0x50: {  	_ =	shalt  }
0x51: {  	_ =	shalt  }
0x52: {  	_ =	shalt  }
0x53: {  	_ =	shalt  }
0x54: {  	_ =	shalt  }
0x55: {  	_ =	shalt  }
0x56: {  	_ =	shalt  }
0x57: {  	_ =	shalt  }
0x58: {  	_ =	shalt  }
0x59: {  	_ =	shalt  }
0x5a: {  	_ =	shalt  }
0x5b: {  	_ =	shalt  }
0x5c: {  	_ =	shalt  }
0x5d: {  	_ =	shalt  }
0x5e: {  	_ =	shalt  }
0x5f: {  	_ =	shalt  }
0x60: {  	_ =	shalt  }
0x61: {  	_ =	shalt  }
0x62: {  	_ =	shalt  }
0x63: {  	_ =	shalt  }
0x64: {  	_ =	shalt  }
0x65: {  	_ =	shalt  }
0x66: {  	_ =	shalt  }
0x67: {  	_ =	shalt  }
0x68: {  	_ =	shalt  }
0x69: {  	_ =	shalt  }
0x6a: {  	_ =	shalt  }
0x6b: {  	_ =	shalt  }
0x6c: {  	_ =	shalt  }
0x6d: {  	_ =	shalt  }
0x6e: {  	_ =	shalt  }
0x6f: {  	_ =	shalt  }
0x70: {  	_ =	shalt  }
0x71: {  	_ =	shalt  }
0x72: {  	_ =	shalt  }
0x73: {  	_ =	shalt  }
0x74: {  	_ =	shalt  }
0x75: {  	_ =	shalt  }
0x76: {  	_ =	shalt  }
0x77: {  	_ =	shalt  }
0x78: {  	_ =	shalt  }
0x79: {  	_ =	shalt  }
0x7a: {  	_ =	shalt  }
0x7b: {  	_ =	shalt  }
0x7c: {  	_ =	shalt  }
0x7d: {  	_ =	shalt  }
0x7e: {  	_ =	shalt  }
0x7f: {  	_ =	shalt  }
0x80: {  	_ =	shalt  }
0x81: {  	_ =	shalt  }
0x82: {  	_ =	shalt  }
0x83: {  	_ =	shalt  }
0x84: {  	_ =	shalt  }
0x85: {  	_ =	shalt  }
0x86: {  	_ =	shalt  }
0x87: {  	_ =	shalt  }
.Lfunc_end0:
.L_simem_size_0:
called_computation.2_lowered:
.L_overlay_start_0:
0x88: {  	s2 =	sld [smem:$0x3FD9]  }
0x89: {  	s3 =	sld [smem:$0x3FFE];
	_ =	sdelay $0x1  }
0x8a: {  	s1 =	srdreg.scid  }
0x8b: {  	s0 =	sand.u32 $0x1, s1  }
0x8c: {  	s16 =	sshll.u32 s0, $0xA;
	s2 =	sadd.s32 s3, s2  }
0x8d: {  	s2 =	sadd.s32 s2, s16  }
0x8e: {  	[smem:$0x3FB7] =	sst s2  }
0x8f: {  	_ = 	snop  }
0x90: {  	(tm) =	ssettm $0x1  }
0x91: {  	s17 =	sld [smem:$0x3FFB];
	_ =	sdelay $0x3  }
0x92: {  	_ =	strace s17  }
0x93: {  	s2 =	sld [smem:$0x3FFC];
	_ =	sdelay $0x3  }
0x94: {  	_ =	strace s2  }
0x95: {  	s2 =	sld [smem:$0x3FFD];
	_ =	sdelay $0x3  }
0x96: {  	_ =	strace s2  }
0x97: {  	_ =	strace $0x8FFFFFFF  }
0x98: {  	s18 =	sld [smem:$0x3FDB];
	_ =	sdelay $0x1  }
0x99: {  	s19 =	simm.s32 $_scs_section_size  }
0x9a: {  	s4 =	simm.s32 $_size__tile_overlayer_lowered;
	s5 =	simm.s32 $_tile_overlayer_lowered  }
0x9b: {  	s22 =	simm.s32 $0x1BFF;
	s21 =	sshll.u32 s5, $0x1;
	s2 =	sadd.s32 s19, s18  }
0x9c: {  	s6 =	simm.s32 $0x0;
	s20 =	sshll.u32 s4, $0x1;
	s4 =	sadd.s32 s21, s2  }
0x9d: {  	[timem:s6], [sflag:s22] =	dma.local [hbm:s4], s20  }
0x9e: {  	_ =	swait.ge [sflag:s22], s20  }
0x9f: {  	s3 =	ssub.s32 $0x0, s20;
	[sflag:s22] =	ssyncset.done $0x0  }
0xa0: {  	[sflag:s22] =	ssyncadd.s32 s3;
	_ =	sdelay $0x1  }
0xa1: {  	s23 =	simm.s32 $0x1B8B  }
0xa2: {  	_ =	swait.ge [sflag:s23], $0x1  }
0xa3: {  	[sflag:s23] =	ssyncset.done $0x0  }
0xa4: {  	s25 =	simm.s32 $0x1B8E;
	s24 =	sld [smem:$0x3FFE];
	[sflag:s23] =	ssyncadd.s32 $0xFFFFFFFF  }
0xa5: {  	s26 =	simm.s32 $execute0_lowered;
	[smem:$0x3FD2] =	sst s25  }
0xa6: {  	s4 =	sshll.u32 s26, $0x1;
	_ =	strace $0x8000004C;
	[dreg:$0x1] =	wrdreg $0xFFFFFFFF  }
0xa7: {  	s28 =	simm.s32 $_size_execute0_lowered;
	s2 =	sadd.s32 s2, s4;
	[dreg:$0x0] =	wrdreg $0x0  }
0xa8: {  	s4 =	sshll.u32 s28, $0x1;
	[dreg:$0x2] =	wrdreg s2  }
0xa9: {  	[dreg:$0x3] =	wrdreg s4  }
0xaa: {  	[dreg:$0x4] =	wrdreg $0xC0  }
0xab: {  	_ =	task [dreg:s6], $0x5FFFF  }
0xac: {  	[dreg:$0x1] =	wrdreg $0xFFFFFFFF  }
0xad: {  	[dreg:$0x0] =	wrdreg $0x60  }
0xae: {  	[dreg:$0x2] =	wrdreg s24  }
0xaf: {  	[dreg:$0x3] =	wrdreg $0x82000  }
0xb0: {  	[dreg:$0x4] =	wrdreg $0x9  }
0xb1: {  	_ =	task.clear_ibuf [dreg:s6], $0x5FFFF;
	_ =	strace $0x9000004C  }
0xb2: {  	s29 =	simm.s32 $0x9;
	_ =	strace $0x8000004E  }
0xb3: {  	_ =	swait.ge [sflag:s29], $0x1  }
0xb4: {  	[sflag:s29] =	ssyncadd.s32 $0xFFFFFFFF  }
0xb5: {  	_ =	strace $0x9000004E  }
0xb6: {  	_ =	sfence  }
0xb7: {  	s30 =	sld [smem:$0x0];
	_ =	sdelay $0x2  }
0xb8: {  	s31 =	sshll.u32 s1, $0xD;
	s1 =	sshrl.u32 s1, $0x2  }
0xb9: {  	s3 =	sand.u32 $0x4000, s31;
	s1 =	sadd.s32 s1, s30  }
0xba: {  	s0 =	sor.u32 s3, s0;
	s1 =	sshll.u32 s1, $0x11  }
0xbb: {  	s0 =	sor.u32 s1, s0  }
0xbc: {  	s0 =	sadd.s32 $0x8F2B, s0  }
0xbd: {  	[sflag:s0] =	ssyncadd.remote.s32 $0x1  }
0xbe: {  	_ =	sfence.sel $0xFFFF  }
0xbf: {  	[dreg:$0x0] =	wrdreg $0xFFFFFFFF;
	(pc) =	sbr.abs _section_cstart, $3  }
0xc0: {  	[dreg:$0x1] =	wrdreg $0xFFFFFFFF  }
0xc1: {  	_ =	task.clear_ibuf [dreg:s6], $0x2FFFF;
	_ =	strace $0x9FFFFFFF  }
0xc2: {  	(tm) =	ssettm $0x7FFFFFFF  }
0xc3: {  	_ =	shalt  }
tec
execute0_lowered:
.L_overlay_start_1:
0x0: {  	(tag) =	ssettag $0x1  }
0x1: {  	s6 =	rddreg [dreg:$0x0]  }
0x2: {  	s1 =	rddreg [dreg:$0x1];
	s3 =	simm.s32 $0x0;
	s2 =	srdreg.scid  }
0x3: {  	s0 =	stileid.u32;
	s19 =	simm.s32 $0x80;
	s20 =	simm.s32 $0x100  }
0x4: {  	s21 =	simm.s32 $0x4100;
	s22 =	simm.s32 $0x4180;
	s9 =	smul.u32 $0x278, s0  }
0x5: {  	s23 =	simm.s32 $0x4200;
	s24 =	simm.s32 $0x1;
	s10 =	smul.u32 $0x4F000, s0  }
0x6: {  	[smem:$0x7FF] =	sst s3;
	s7 =	sand.u32 $0x1, s2;
	s11 =	smul.u32 $0x4F00, s0  }
0x7: {  	s4 =	sadd.s32 $0x17200, s6;
	s5 =	sadd.s32 $0x90200, s6;
	s15 =	smul.u32 $0x9E0, s0  }
0x8: {  	s14 =	sadd.s32 $0xD400, s6;
	s28 =	sshll.u32 s0, $0x6;
	s8 =	smul.u32 $0x2780, s7  }
0x9: {  	_ =	strace $0x8000004D;
	s25 =	smul.u32 $0x4F000, s7;
	s7 =	ssub.s32 $0x2, s7  }
0xa: {  	s26 =	sshrl.u32 s7, $0x1;
	s10 =	sshrl.u32 s10, $0x2;
	s30 =	sshrl.u32 s11, $0x3  }
0xb: {  	s8 =	sadd.s32 s9, s8;
	s13 =	ssub.s32 s7, s26;
	s17 =	sadd.s32 s10, s1  }
0xc: {  	s16 =	sadd.s32 s11, s25;
	s7 =	sor.u32 $0x1C03, s28;
	s9 =	sadd.s32 s14, s30  }
0xd: {  	s14 =	sadd.s32 s15, s14;
	s25 =	simm.s32 $0x2;
	s26 =	simm.s32 $0x0  }
0xe: {  	s8 =	sshll.u32 s8, $0x4;
	s29 =	sshrl.u32 s16, $0x3;
	s11 =	smax.u32 s13, $0x1  }
0xf: {  	s18 =	sor.u32 $0x80, s16;
	s13 =	sadd.s32 $0x9D0, s9;
	s16 =	sadd.s32 $0x100, s16  }
0x10: {  	s17 =	sshrl.u32 s17, $0x3;
	s12 =	sadd.s32 s8, s6;
	s6 =	sadd.s32 s4, s8  }
0x11: {  	s8 =	sadd.s32 s5, s29;
	s31 =	sshrl.u32 s18, $0x3;
	s18 =	simm.s32 $0x3  }
0x12: {  	s10 =	sadd.s32 $0xA3E00, s12;
	s12 =	sadd.s32 $0x9D0, s8;
	s15 =	sadd.s32 s31, s5  }
.LBB2_1:
0x13: {  	[spmem:s17], [sflag:s7] =	dma.local [hbm:s6], $0x2780  }
0x14: {  	_ =	swait.ge [sflag:s18], $0x2780  }
0x15: {  	[sflag:s18] =	ssyncset.done $0x0  }
0x16: {  	[sflag:s18] =	ssyncadd.s32 $0xFFFFD880  }
0x17: {  	[bflag:$0x0] =	sbarrier.arrive $0xFFFF  }
0x18: {  	[tilespmem:s3], [sflag:$0x3] =	stream.linear.gather [hbm4b:s8+s3], $0x80, $0x38;
	[tilespmem:$0x1BE00] =	vst v63  }
0x19: {  	_ =	swait.ge [sflag:s18], $0x80  }
0x1a: {  	[sflag:s18] =	ssyncset.done $0x0  }
0x1b: {  	[sflag:s18] =	ssyncadd.s32 $0xFFFFFF80  }
0x1c: {  	[tilespmem:s19], [sflag:$0x3] =	stream.linear.gather [hbm4b:s9+s3], $0x80, $0x38;
	[tilespmem:$0x1BE00] =	vst v63  }
0x1d: {  	_ =	swait.ge [sflag:s18], $0x80  }
0x1e: {  	[sflag:s18] =	ssyncset.done $0x0  }
0x1f: {  	[sflag:s18] =	ssyncadd.s32 $0xFFFFFF80  }
0x20: {  	[tilespmem:s20], [sflag:$0x1] =	stream.indirect.gather [hbm4b:s4+s19], $0x80, s3, s19, $0xb8;
	[tilespmem:$0x1BE00] =	vst v63  }
0x21: {  	s28 =	sadd.s32 $0x0, s15  }
0x22: {  	[tilespmem:s21], [sflag:$0x3] =	stream.linear.gather [hbm4b:s28+s3], $0x80, $0x38;
	[tilespmem:$0x1BE00] =	vst v63  }
0x23: {  	_ =	swait.ge [sflag:s18], $0x80  }
0x24: {  	s28 =	sadd.s32 $0x0, s14;
	[sflag:s18] =	ssyncset.done $0x0  }
0x25: {  	s29 =	sadd.s32 $0x10, s28;
	[sflag:s18] =	ssyncadd.s32 $0xFFFFFF80  }
0x26: {  	[tilespmem:s22], [sflag:$0x3] =	stream.linear.gather [hbm4b:s29+s3], $0x80, $0x38;
	[tilespmem:$0x1BE00] =	vst v63  }
0x27: {  	_ =	swait.ge [sflag:s18], $0x80  }
0x28: {  	[sflag:s18] =	ssyncset.done $0x0  }
0x29: {  	[sflag:s18] =	ssyncadd.s32 $0xFFFFFF80  }
0x2a: {  	[tilespmem:s23], [sflag:$0x2] =	stream.indirect.gather [hbm4b:s4+s19], $0x80, s21, s19, $0xb8;
	[tilespmem:$0x1BE00] =	vst v63  }
0x2b: {  	_ =	swait.ge [sflag:s24], $0x4000  }
0x2c: {  	[sflag:s24] =	ssyncset.done $0x0  }
0x2d: {  	[sflag:s24] =	ssyncadd.s32 $0xFFFFC000  }
0x2e: {  	[spmem:s1] =	stream.indirect.scatter.add.f32 [tilespmem:s20], [sflag:$0x3], $0x80, s19, s19, $0xb8;
	[tilespmem:$0x1BE00] =	vst v63  }
0x2f: {  	_ =	swait.ge [sflag:s18], $0x4000  }
0x30: {  	s29 =	sshrl.u32 s16, $0x3;
	[sflag:s18] =	ssyncset.done $0x0  }
0x31: {  	s29 =	sadd.s32 s5, s29;
	[sflag:s18] =	ssyncadd.s32 $0xFFFFC000  }
0x32: {  	[tilespmem:s3], [sflag:$0x3] =	stream.linear.gather [hbm4b:s29+s3], $0x80, $0x38;
	[tilespmem:$0x1BE00] =	vst v63  }
0x33: {  	_ =	swait.ge [sflag:s18], $0x80  }
0x34: {  	[sflag:s18] =	ssyncset.done $0x0  }
0x35: {  	s28 =	sadd.s32 $0x20, s28;
	[sflag:s18] =	ssyncadd.s32 $0xFFFFFF80  }
0x36: {  	[tilespmem:s19], [sflag:$0x3] =	stream.linear.gather [hbm4b:s28+s3], $0x80, $0x38;
	[tilespmem:$0x1BE00] =	vst v63  }
0x37: {  	_ =	swait.ge [sflag:s18], $0x80  }
0x38: {  	[sflag:s18] =	ssyncset.done $0x0  }
0x39: {  	[sflag:s18] =	ssyncadd.s32 $0xFFFFFF80  }
0x3a: {  	[tilespmem:s20], [sflag:$0x1] =	stream.indirect.gather [hbm4b:s4+s19], $0x80, s3, s19, $0xb8;
	[tilespmem:$0x1BE00] =	vst v63  }
0x3b: {  	_ =	swait.ge [sflag:s25], $0x4000  }
0x3c: {  	[sflag:s25] =	ssyncset.done $0x0  }
0x3d: {  	[sflag:s25] =	ssyncadd.s32 $0xFFFFC000  }
0x3e: {  	[spmem:s1] =	stream.indirect.scatter.add.f32 [tilespmem:s23], [sflag:$0x3], $0x80, s22, s19, $0xb8;
	[tilespmem:$0x1BE00] =	vst v63  }
0x3f: {  	s31 =	simm.s32 $0x40;
	_ =	swait.ge [sflag:s18], $0x4000  }
0x40: {  	s29 =	simm.s32 $0x20;
	s28 =	sadd.s32 $0x100, s16;
	[sflag:s18] =	ssyncset.done $0x0  }
.LBB2_2:
0x41: {  	s0 =	sadd.s32 s29, s15  }
0x42: {  	[sflag:s18] =	ssyncadd.s32 $0xFFFFC000;
	s2 =	smov.u32 s31;
	s30 =	sadd.s32 $0x20, s31  }
0x43: {  	[tilespmem:s21], [sflag:$0x3] =	stream.linear.gather [hbm4b:s0+s3], $0x80, $0x38;
	[tilespmem:$0x1BE00] =	vst v63  }
0x44: {  	p0 =	sne.s32 s31, $0x9A0;
	_ =	swait.ge [sflag:s18], $0x80  }
0x45: {  	s0 =	sadd.s32 s29, s14;
	s29 =	smov.u32 s2;
	[sflag:s18] =	ssyncset.done $0x0  }
0x46: {  	s2 =	sadd.s32 $0x10, s0;
	[sflag:s18] =	ssyncadd.s32 $0xFFFFFF80  }
0x47: {  	[tilespmem:s22], [sflag:$0x3] =	stream.linear.gather [hbm4b:s2+s3], $0x80, $0x38;
	[tilespmem:$0x1BE00] =	vst v63  }
0x48: {  	_ =	swait.ge [sflag:s18], $0x80  }
0x49: {  	[sflag:s18] =	ssyncset.done $0x0  }
0x4a: {  	[sflag:s18] =	ssyncadd.s32 $0xFFFFFF80  }
0x4b: {  	[tilespmem:s23], [sflag:$0x2] =	stream.indirect.gather [hbm4b:s4+s19], $0x80, s21, s19, $0xb8;
	[tilespmem:$0x1BE00] =	vst v63  }
0x4c: {  	_ =	swait.ge [sflag:s24], $0x4000  }
0x4d: {  	[sflag:s24] =	ssyncset.done $0x0  }
0x4e: {  	[sflag:s24] =	ssyncadd.s32 $0xFFFFC000  }
0x4f: {  	[spmem:s1] =	stream.indirect.scatter.add.f32 [tilespmem:s20], [sflag:$0x3], $0x80, s19, s19, $0xb8;
	[tilespmem:$0x1BE00] =	vst v63  }
0x50: {  	_ =	swait.ge [sflag:s18], $0x4000  }
0x51: {  	s2 =	sshrl.u32 s28, $0x3;
	[sflag:s18] =	ssyncset.done $0x0  }
0x52: {  	s2 =	sadd.s32 s5, s2;
	[sflag:s18] =	ssyncadd.s32 $0xFFFFC000  }
0x53: {  	[tilespmem:s3], [sflag:$0x3] =	stream.linear.gather [hbm4b:s2+s3], $0x80, $0x38;
	[tilespmem:$0x1BE00] =	vst v63  }
0x54: {  	_ =	swait.ge [sflag:s18], $0x80  }
0x55: {  	[sflag:s18] =	ssyncset.done $0x0  }
0x56: {  	s0 =	sadd.s32 $0x20, s0;
	[sflag:s18] =	ssyncadd.s32 $0xFFFFFF80  }
0x57: {  	[tilespmem:s19], [sflag:$0x3] =	stream.linear.gather [hbm4b:s0+s3], $0x80, $0x38;
	[tilespmem:$0x1BE00] =	vst v63  }
0x58: {  	_ =	swait.ge [sflag:s18], $0x80  }
0x59: {  	[sflag:s18] =	ssyncset.done $0x0  }
0x5a: {  	[sflag:s18] =	ssyncadd.s32 $0xFFFFFF80  }
0x5b: {  	[tilespmem:s20], [sflag:$0x1] =	stream.indirect.gather [hbm4b:s4+s19], $0x80, s3, s19, $0xb8;
	[tilespmem:$0x1BE00] =	vst v63  }
0x5c: {  	_ =	swait.ge [sflag:s25], $0x4000  }
.Ltmp0:
0x5d: {  	[sflag:s25] =	ssyncset.done $0x0;
	(pc) =	sbr.rel @p0 .LBB2_2-.Ltmp0, $4  }
0x5e: {  	[sflag:s25] =	ssyncadd.s32 $0xFFFFC000  }
0x5f: {  	[spmem:s1] =	stream.indirect.scatter.add.f32 [tilespmem:s23], [sflag:$0x3], $0x80, s22, s19, $0xb8;
	[tilespmem:$0x1BE00] =	vst v63  }
0x60: {  	_ =	swait.ge [sflag:s18], $0x4000  }
0x61: {  	s31 =	smov.u32 s30;
	s28 =	sadd.s32 $0x100, s28;
	[sflag:s18] =	ssyncset.done $0x0  }
0x62: {  	s0 =	sadd.s32 s29, s15;
	[sflag:s18] =	ssyncadd.s32 $0xFFFFC000  }
0x63: {  	[tilespmem:s21], [sflag:$0x3] =	stream.linear.gather [hbm4b:s0+s3], $0x80, $0x38;
	[tilespmem:$0x1BE00] =	vst v63  }
0x64: {  	_ =	swait.ge [sflag:s18], $0x80  }
0x65: {  	s30 =	sadd.s32 s29, s14;
	[sflag:s18] =	ssyncset.done $0x0  }
0x66: {  	s2 =	sadd.s32 $0x10, s30;
	[sflag:s18] =	ssyncadd.s32 $0xFFFFFF80  }
0x67: {  	[tilespmem:s22], [sflag:$0x3] =	stream.linear.gather [hbm4b:s2+s3], $0x80, $0x38;
	[tilespmem:$0x1BE00] =	vst v63  }
0x68: {  	_ =	swait.ge [sflag:s18], $0x80  }
0x69: {  	[sflag:s18] =	ssyncset.done $0x0  }
0x6a: {  	[sflag:s18] =	ssyncadd.s32 $0xFFFFFF80  }
0x6b: {  	[tilespmem:s23], [sflag:$0x2] =	stream.indirect.gather [hbm4b:s4+s19], $0x80, s21, s19, $0xb8;
	[tilespmem:$0x1BE00] =	vst v63  }
0x6c: {  	_ =	swait.ge [sflag:s24], $0x4000  }
0x6d: {  	[sflag:s24] =	ssyncset.done $0x0  }
0x6e: {  	[sflag:s24] =	ssyncadd.s32 $0xFFFFC000  }
0x6f: {  	[spmem:s1] =	stream.indirect.scatter.add.f32 [tilespmem:s20], [sflag:$0x3], $0x80, s19, s19, $0xb8;
	[tilespmem:$0x1BE00] =	vst v63  }
0x70: {  	_ =	swait.ge [sflag:s18], $0x4000  }
0x71: {  	s31 =	sshrl.u32 s28, $0x3;
	[sflag:s18] =	ssyncset.done $0x0  }
0x72: {  	s2 =	sadd.s32 s5, s31;
	[sflag:s18] =	ssyncadd.s32 $0xFFFFC000  }
0x73: {  	[tilespmem:s3], [sflag:$0x3] =	stream.linear.gather [hbm4b:s2+s3], $0x80, $0x38;
	[tilespmem:$0x1BE00] =	vst v63  }
0x74: {  	_ =	swait.ge [sflag:s18], $0x80  }
0x75: {  	[sflag:s18] =	ssyncset.done $0x0  }
0x76: {  	s0 =	sadd.s32 $0x20, s30;
	[sflag:s18] =	ssyncadd.s32 $0xFFFFFF80  }
0x77: {  	[tilespmem:s19], [sflag:$0x3] =	stream.linear.gather [hbm4b:s0+s3], $0x80, $0x38;
	[tilespmem:$0x1BE00] =	vst v63  }
0x78: {  	_ =	swait.ge [sflag:s18], $0x80  }
0x79: {  	[sflag:s18] =	ssyncset.done $0x0  }
0x7a: {  	[sflag:s18] =	ssyncadd.s32 $0xFFFFFF80  }
0x7b: {  	[tilespmem:s20], [sflag:$0x1] =	stream.indirect.gather [hbm4b:s4+s19], $0x80, s3, s19, $0xb8;
	[tilespmem:$0x1BE00] =	vst v63  }
0x7c: {  	_ =	swait.ge [sflag:s25], $0x4000  }
0x7d: {  	[sflag:s25] =	ssyncset.done $0x0  }
0x7e: {  	[sflag:s25] =	ssyncadd.s32 $0xFFFFC000  }
0x7f: {  	[spmem:s1] =	stream.indirect.scatter.add.f32 [tilespmem:s23], [sflag:$0x3], $0x80, s22, s19, $0xb8;
	[tilespmem:$0x1BE00] =	vst v63  }
0x80: {  	_ =	swait.ge [sflag:s18], $0x4000  }
0x81: {  	[sflag:s18] =	ssyncset.done $0x0  }
0x82: {  	[sflag:s18] =	ssyncadd.s32 $0xFFFFC000  }
0x83: {  	[tilespmem:s21], [sflag:$0x3] =	stream.linear.gather [hbm4b:s12+s3], $0x80, $0x38;
	[tilespmem:$0x1BE00] =	vst v63  }
0x84: {  	_ =	swait.ge [sflag:s18], $0x80  }
0x85: {  	[sflag:s18] =	ssyncset.done $0x0  }
0x86: {  	[sflag:s18] =	ssyncadd.s32 $0xFFFFFF80  }
0x87: {  	[tilespmem:s22], [sflag:$0x3] =	stream.linear.gather [hbm4b:s13+s3], $0x80, $0x38;
	[tilespmem:$0x1BE00] =	vst v63  }
0x88: {  	_ =	swait.ge [sflag:s18], $0x80  }
0x89: {  	[sflag:s18] =	ssyncset.done $0x0  }
0x8a: {  	[sflag:s18] =	ssyncadd.s32 $0xFFFFFF80  }
0x8b: {  	[tilespmem:s23], [sflag:$0x2] =	stream.indirect.gather [hbm4b:s4+s19], $0x80, s21, s19, $0xb8;
	[tilespmem:$0x1BE00] =	vst v63  }
0x8c: {  	_ =	swait.ge [sflag:s24], $0x4000  }
0x8d: {  	[sflag:s24] =	ssyncset.done $0x0  }
0x8e: {  	[sflag:s24] =	ssyncadd.s32 $0xFFFFC000  }
0x8f: {  	[spmem:s1] =	stream.indirect.scatter.add.f32 [tilespmem:s20], [sflag:$0x3], $0x80, s19, s19, $0xb8;
	[tilespmem:$0x1BE00] =	vst v63  }
0x90: {  	_ =	swait.ge [sflag:s18], $0x4000  }
0x91: {  	[sflag:s18] =	ssyncset.done $0x0  }
0x92: {  	[sflag:s18] =	ssyncadd.s32 $0xFFFFC000  }
0x93: {  	_ =	swait.ge [sflag:s25], $0x4000  }
0x94: {  	[sflag:s25] =	ssyncset.done $0x0  }
0x95: {  	[sflag:s25] =	ssyncadd.s32 $0xFFFFC000  }
0x96: {  	[spmem:s1] =	stream.indirect.scatter.add.f32 [tilespmem:s23], [sflag:$0x3], $0x80, s22, s19, $0xb8;
	[tilespmem:$0x1BE00] =	vst v63  }
0x97: {  	_ =	swait.ge [sflag:s18], $0x4000  }
0x98: {  	s26 =	sadd.s32 $0x1, s26;
	[sflag:s18] =	ssyncset.done $0x0  }
0x99: {  	p0 =	sne.s32 s26, s11;
	[sflag:s18] =	ssyncadd.s32 $0xFFFFC000  }
.Ltmp1:
0x9a: {  	[bflag:$0x0] =	sbarrier.arrive $0xFFFF;
	(pc) =	sbr.rel @p0 .LBB2_1-.Ltmp1, $4  }
0x9b: {  	[hbm:s10], [sflag:s7] =	dma.local [spmem:s17], $0x2780  }
0x9c: {  	_ =	swait.ge [sflag:s18], $0x2780  }
0x9d: {  	[sflag:s18] =	ssyncset.done $0x0  }
0x9e: {  	[sflag:s18] =	ssyncadd.s32 $0xFFFFD880  }
0x9f: {  	_ =	sfence.sel $0x180000  }
0xa0: {  	[bflag:$0x0] =	sbarrier.arrive $0xFFFF  }
0xa1: {  	_ =	strace $0x9000004D  }
0xa2: {  	s0 =	stileid.u32;
	[bflag:$0x2] =	sbarrier.arrive $0xFFFF  }
0xa3: {  	p0 =	sne.s32 s0, $0x0;
	s0 =	rddreg [dreg:$0x2]  }
0xa4: {  	s0 =	sadd.s32 @!p0 $0x100000, s0  }
0xa5: {  	[sflag:s0] =	ssyncadd.tile.s32 @!p0 $0x1;
	_ =	shalt  }
.Lfunc_end2:
_tile_overlayer_lowered:
.L_overlay_start_2:
0xa6: {  	(tag) =	ssettag $0x2  }
0xa7: {  	s0 =	rddreg [dreg:$0x0];
	s2 =	stileid.u32  }
0xa8: {  	s1 =	rddreg [dreg:$0x1];
	p0 =	sne.s32 s2, $0x0  }
0xa9: {  	s3 =	rddreg [dreg:$0x2];
	[bflag:$0x3] =	sbarrier.arrive $0xFFFF;
	s2 =	simm.s32 @!p0 $0x1C03  }
0xaa: {  	[timem:s3], [sflag:s2] =	dma.local @!p0 [hbm:s0], s1  }
0xab: {  	s0 =	simm.s32 @!p0 $0x3  }
0xac: {  	_ =	swait.ge @!p0 [sflag:s0], s1  }
0xad: {  	s1 =	ssub.s32 @!p0 $0x0, s1;
	[sflag:s0] =	ssyncset.done @!p0 $0x0  }
0xae: {  	[sflag:s0] =	ssyncadd.s32 @!p0 s1  }
0xaf: {  	[bflag:$0x3] =	sbarrier.arrive $0xFFFF  }
0xb0: {  	_ =	shalt  }

// kernel: kernel.8.cloned.1.call-start
scs
__scs_entry_jumppad:
0x0: {  	(pc) =	sbr.rel $0x88, $3  }
0x1: {  	(tag) =	ssettag $0x0;
	lr =	simm.s32 $0x1  }
0x2: {  	[smem:$0x3F90] =	sst lr;
	_ =	strace $0xD0000000  }
0x3: {  	_ = 	snop  }
0x4: {  	_ = 	snop  }
0x5: {  	_ = 	snop  }
0x6: {  	_ = 	snop  }
0x7: {  	_ = 	snop  }
__scs_overlays_trampoline_lowered:
0x8: {  	[smem:$0x3F9F] =	sst s0  }
0x9: {  	[smem:$0x3FA0] =	sst s1  }
0xa: {  	[smem:$0x3FA1] =	sst s2  }
0xb: {  	[smem:$0x3FA2] =	sst s3  }
0xc: {  	[smem:$0x3FA3] =	sst s4  }
0xd: {  	[smem:$0x3FA4] =	sst s5  }
0xe: {  	[smem:$0x3FA5] =	sst s6  }
0xf: {  	[smem:$0x3FA6] =	sst s7  }
0x10: {  	[smem:$0x3FA7] =	sst s8  }
0x11: {  	[smem:$0x3FA8] =	sst s9;
	s0 =	simm.s32 @!p0 $0x0  }
0x12: {  	s1 =	sld [smem:$0x3F8E];
	s0 =	simm.s32 @p0 $0x1  }
0x13: {  	[smem:$0x3FA9] =	sst s0;
	s0 =	simm.s32 @!p1 $0x0  }
0x14: {  	s2 =	sld [smem:$0x3F8D];
	s0 =	simm.s32 @p1 $0x1  }
0x15: {  	[smem:$0x3FAA] =	sst s0;
	s0 =	simm.s32 @!p2 $0x0  }
0x16: {  	s3 =	sld [smem:$0x3FDB];
	s0 =	simm.s32 @p2 $0x1  }
0x17: {  	s4 =	simm.s32 $0x1BF5;
	[smem:$0x3FAC] =	sst s0  }
0x18: {  	s0 =	sld [smem:$0x3F8F];
	_ =	swait.ge [sflag:s4], $0x0  }
0x19: {  	s7 =	sld [smem:$0x3F90]  }
0x1a: {  	s8 =	sadd.s32 $0xFFFFE003, lr  }
0x1b: {  	s9 =	sadd.s32 $0xFFFFFEF7, lr;
	s5 =	simm.s32 $0xFFFFFFFF;
	p2 =	slt.u32 s8, $0xFFFFF086  }
0x1c: {  	p1 =	slt.u32 s9, $0xF7A;
	s5 =	simm.s32 @!p2 $0x0  }
0x1d: {  	s5 =	simm.s32 @p1 $0x1;
	p0 =	seq.s32 s7, s2  }
0x1e: {  	s7 =	smul.u32 @!p0 $0xF7A, s2;
	p2 =	seq.s32 @!p0 s5, $0x0  }
0x1f: {  	s9 =	smul.u32 $0xF7A, s1;
	s8 =	simm.s32 @!p0 $0x1BF5;
	p2 =	por !p2, p0  }
0x20: {  	[sflag:s8] =	ssyncset.s32 @!p0 $0xFFFFF086;
	s6 =	sadd.s32 @!p0 s3, s7;
	s7 =	simm.s32 @!p0 $0x108  }
0x21: {  	s3 =	sadd.s32 s3, s9;
	s6 =	sadd.s32 @!p0 $0x88, s6;
	s7 =	simm.s32 @p2 $0x1082  }
0x22: {  	[simem:s7], [sflag:s8] =	dma.local @!p0 [hbm:s6], $0xF7A  }
0x23: {  	s9 =	sor.u32 $0xD0000000, s2;
	s6 =	simm.s32 $0x108;
	_ =	swait.ge @!p0 [sflag:s8], $0x0  }
0x24: {  	s3 =	sadd.s32 $0x88, s3;
	s6 =	simm.s32 @!p1 $0x1082;
	[sflag:s4] =	ssyncset.s32 $0xFFFFF086  }
0x25: {  	[simem:s6], [sflag:s4] =	dma.local [hbm:s3], $0xF7A  }
0x26: {  	[smem:$0x3F90] =	sst s1;
	(tag) =	ssettag s2;
	_ =	strace s9  }
0x27: {  	s1 =	sld [smem:$0x3FA0]  }
0x28: {  	s2 =	sld [smem:$0x3FA1]  }
0x29: {  	s4 =	sld [smem:$0x3FA3]  }
0x2a: {  	p0 =	seq.s32 s5, $0x0;
	s5 =	sld [smem:$0x3FA4]  }
0x2b: {  	s6 =	sld [smem:$0x3FA5]  }
0x2c: {  	s7 =	sld [smem:$0x3FA6]  }
0x2d: {  	s3 =	simm.s32 $0x108;
	s8 =	sld [smem:$0x3FA7]  }
0x2e: {  	s3 =	simm.s32 @!p0 $0x1082;
	s9 =	sld [smem:$0x3FA8]  }
0x2f: {  	lr =	sadd.s32 s0, s3;
	s0 =	sld [smem:$0x3F9F]  }
0x30: {  	s3 =	sld [smem:$0x3FA2]  }
0x31: {  	[smem:$0x3FAB] =	sst s10  }
0x32: {  	s10 =	sld [smem:$0x3FA9];
	_ =	sdelay $0x3  }
0x33: {  	p0 =	seq.s32 s10, $0x1;
	s10 =	sld [smem:$0x3FAB];
	_ =	sdelay $0x3  }
0x34: {  	[smem:$0x3FAB] =	sst s10  }
0x35: {  	s10 =	sld [smem:$0x3FAA];
	_ =	sdelay $0x3  }
0x36: {  	p1 =	seq.s32 s10, $0x1;
	s10 =	sld [smem:$0x3FAB];
	_ =	sdelay $0x3  }
0x37: {  	[smem:$0x3FAB] =	sst s10  }
0x38: {  	s10 =	sld [smem:$0x3FAC]  }
0x39: {  	_ = 	snop;
	(pc) =	sbr.ind lr, $3  }
0x3a: {  	_ = 	snop  }
0x3b: {  	_ = 	snop  }
0x3c: {  	p2 =	seq.s32 s10, $0x1;
	s10 =	sld [smem:$0x3FAB]  }
0x3d: {  	_ =	shalt  }
0x3e: {  	_ =	shalt  }
0x3f: {  	_ =	shalt  }
0x40: {  	_ =	shalt  }
0x41: {  	_ =	shalt  }
0x42: {  	_ =	shalt  }
0x43: {  	_ =	shalt  }
0x44: {  	_ =	shalt  }
0x45: {  	_ =	shalt  }
0x46: {  	_ =	shalt  }
0x47: {  	_ =	shalt  }
0x48: {  	_ =	shalt  }
0x49: {  	_ =	shalt  }
0x4a: {  	_ =	shalt  }
0x4b: {  	_ =	shalt  }
0x4c: {  	_ =	shalt  }
0x4d: {  	_ =	shalt  }
0x4e: {  	_ =	shalt  }
0x4f: {  	_ =	shalt  }
0x50: {  	_ =	shalt  }
0x51: {  	_ =	shalt  }
0x52: {  	_ =	shalt  }
0x53: {  	_ =	shalt  }
0x54: {  	_ =	shalt  }
0x55: {  	_ =	shalt  }
0x56: {  	_ =	shalt  }
0x57: {  	_ =	shalt  }
0x58: {  	_ =	shalt  }
0x59: {  	_ =	shalt  }
0x5a: {  	_ =	shalt  }
0x5b: {  	_ =	shalt  }
0x5c: {  	_ =	shalt  }
0x5d: {  	_ =	shalt  }
0x5e: {  	_ =	shalt  }
0x5f: {  	_ =	shalt  }
0x60: {  	_ =	shalt  }
0x61: {  	_ =	shalt  }
0x62: {  	_ =	shalt  }
0x63: {  	_ =	shalt  }
0x64: {  	_ =	shalt  }
0x65: {  	_ =	shalt  }
0x66: {  	_ =	shalt  }
0x67: {  	_ =	shalt  }
0x68: {  	_ =	shalt  }
0x69: {  	_ =	shalt  }
0x6a: {  	_ =	shalt  }
0x6b: {  	_ =	shalt  }
0x6c: {  	_ =	shalt  }
0x6d: {  	_ =	shalt  }
0x6e: {  	_ =	shalt  }
0x6f: {  	_ =	shalt  }
0x70: {  	_ =	shalt  }
0x71: {  	_ =	shalt  }
0x72: {  	_ =	shalt  }
0x73: {  	_ =	shalt  }
0x74: {  	_ =	shalt  }
0x75: {  	_ =	shalt  }
0x76: {  	_ =	shalt  }
0x77: {  	_ =	shalt  }
0x78: {  	_ =	shalt  }
0x79: {  	_ =	shalt  }
0x7a: {  	_ =	shalt  }
0x7b: {  	_ =	shalt  }
0x7c: {  	_ =	shalt  }
0x7d: {  	_ =	shalt  }
0x7e: {  	_ =	shalt  }
0x7f: {  	_ =	shalt  }
0x80: {  	_ =	shalt  }
0x81: {  	_ =	shalt  }
0x82: {  	_ =	shalt  }
0x83: {  	_ =	shalt  }
0x84: {  	_ =	shalt  }
0x85: {  	_ =	shalt  }
0x86: {  	_ =	shalt  }
0x87: {  	_ =	shalt  }
.Lfunc_end0:
.L_simem_size_0:
called_computation_lowered:
.L_overlay_start_0:
0x88: {  	s2 =	sld [smem:$0x3FD9]  }
0x89: {  	s3 =	sld [smem:$0x3FFE];
	_ =	sdelay $0x1  }
0x8a: {  	s1 =	srdreg.scid  }
0x8b: {  	s0 =	sand.u32 $0x1, s1  }
0x8c: {  	s16 =	sshll.u32 s0, $0xA;
	s2 =	sadd.s32 s3, s2  }
0x8d: {  	s2 =	sadd.s32 s2, s16  }
0x8e: {  	[smem:$0x3FB7] =	sst s2  }
0x8f: {  	_ = 	snop  }
0x90: {  	(tm) =	ssettm $0x1  }
0x91: {  	s17 =	sld [smem:$0x3FFB];
	_ =	sdelay $0x3  }
0x92: {  	_ =	strace s17  }
0x93: {  	s2 =	sld [smem:$0x3FFC];
	_ =	sdelay $0x3  }
0x94: {  	_ =	strace s2  }
0x95: {  	s2 =	sld [smem:$0x3FFD];
	_ =	sdelay $0x3  }
0x96: {  	_ =	strace s2  }
0x97: {  	_ =	strace $0x8FFFFFFF  }
0x98: {  	s18 =	sld [smem:$0x3FDB];
	_ =	sdelay $0x1  }
0x99: {  	s19 =	simm.s32 $_scs_section_size  }
0x9a: {  	s4 =	simm.s32 $_size__tile_overlayer_lowered;
	s5 =	simm.s32 $_tile_overlayer_lowered  }
0x9b: {  	s22 =	simm.s32 $0x1BFF;
	s21 =	sshll.u32 s5, $0x1;
	s2 =	sadd.s32 s19, s18  }
0x9c: {  	s6 =	simm.s32 $0x0;
	s20 =	sshll.u32 s4, $0x1;
	s4 =	sadd.s32 s21, s2  }
0x9d: {  	[timem:s6], [sflag:s22] =	dma.local [hbm:s4], s20  }
0x9e: {  	_ =	swait.ge [sflag:s22], s20  }
0x9f: {  	s3 =	ssub.s32 $0x0, s20;
	[sflag:s22] =	ssyncset.done $0x0  }
0xa0: {  	[sflag:s22] =	ssyncadd.s32 s3;
	_ =	sdelay $0x1  }
0xa1: {  	s23 =	simm.s32 $0x1B8B  }
0xa2: {  	_ =	swait.ge [sflag:s23], $0x1  }
0xa3: {  	[sflag:s23] =	ssyncset.done $0x0  }
0xa4: {  	s25 =	simm.s32 $0x1B8E;
	s24 =	sld [smem:$0x3FFE];
	[sflag:s23] =	ssyncadd.s32 $0xFFFFFFFF  }
0xa5: {  	s26 =	simm.s32 $execute0_lowered;
	[smem:$0x3FD2] =	sst s25  }
0xa6: {  	s4 =	sshll.u32 s26, $0x1;
	_ =	strace $0x80000046;
	[dreg:$0x1] =	wrdreg $0xFFFFFFFF  }
0xa7: {  	s28 =	simm.s32 $_size_execute0_lowered;
	s2 =	sadd.s32 s2, s4;
	[dreg:$0x0] =	wrdreg $0x0  }
0xa8: {  	s4 =	sshll.u32 s28, $0x1;
	[dreg:$0x2] =	wrdreg s2  }
0xa9: {  	[dreg:$0x3] =	wrdreg s4  }
0xaa: {  	[dreg:$0x4] =	wrdreg $0xC0  }
0xab: {  	_ =	task [dreg:s6], $0x5FFFF  }
0xac: {  	[dreg:$0x1] =	wrdreg $0xFFFFFFFF  }
0xad: {  	[dreg:$0x0] =	wrdreg $0x60  }
0xae: {  	[dreg:$0x2] =	wrdreg s24  }
0xaf: {  	[dreg:$0x3] =	wrdreg $0x82000  }
0xb0: {  	[dreg:$0x4] =	wrdreg $0x9  }
0xb1: {  	_ =	task.clear_ibuf [dreg:s6], $0x5FFFF;
	_ =	strace $0x90000046  }
0xb2: {  	s29 =	simm.s32 $0x9;
	_ =	strace $0x80000048  }
0xb3: {  	_ =	swait.ge [sflag:s29], $0x1  }
0xb4: {  	[sflag:s29] =	ssyncadd.s32 $0xFFFFFFFF  }
0xb5: {  	_ =	strace $0x90000048  }
0xb6: {  	_ =	sfence  }
0xb7: {  	s30 =	sld [smem:$0x0];
	_ =	sdelay $0x2  }
0xb8: {  	s31 =	sshll.u32 s1, $0xD;
	s1 =	sshrl.u32 s1, $0x2  }
0xb9: {  	s3 =	sand.u32 $0x4000, s31;
	s1 =	sadd.s32 s1, s30  }
0xba: {  	s0 =	sor.u32 s3, s0;
	s1 =	sshll.u32 s1, $0x11  }
0xbb: {  	s0 =	sor.u32 s1, s0  }
0xbc: {  	s0 =	sadd.s32 $0x8F2B, s0  }
0xbd: {  	[sflag:s0] =	ssyncadd.remote.s32 $0x1  }
0xbe: {  	_ =	sfence.sel $0xFFFF  }
0xbf: {  	[dreg:$0x0] =	wrdreg $0xFFFFFFFF;
	(pc) =	sbr.abs _section_cstart, $3  }
0xc0: {  	[dreg:$0x1] =	wrdreg $0xFFFFFFFF  }
0xc1: {  	_ =	task.clear_ibuf [dreg:s6], $0x2FFFF;
	_ =	strace $0x9FFFFFFF  }
0xc2: {  	(tm) =	ssettm $0x7FFFFFFF  }
0xc3: {  	_ =	shalt  }
tec
execute0_lowered:
.L_overlay_start_1:
0x0: {  	(tag) =	ssettag $0x1  }
0x1: {  	s0 =	rddreg [dreg:$0x0]  }
0x2: {  	s1 =	rddreg [dreg:$0x1]  }
0x3: {  	s3 =	simm.s32 $0x0;
	s2 =	srdreg.scid;
	s11 =	stileid.u32  }
0x4: {  	s28 =	simm.s32 $0x1;
	s29 =	simm.s32 $0x2;
	s30 =	simm.s32 $0x0  }
0x5: {  	[smem:$0x7FF] =	sst s3;
	s2 =	sand.u32 $0x1, s2;
	s7 =	smul.u32 $0x2780, s11  }
0x6: {  	s4 =	sadd.s32 $0x17200, s0;
	s5 =	sadd.s32 $0x3600, s0;
	s10 =	smul.u32 $0x4F000, s11  }
0x7: {  	s12 =	sadd.s32 $0x3EA00, s0;
	s22 =	sshll.u32 s11, $0x6;
	_ =	strace $0x80000047  }
0x8: {  	s6 =	sshll.u32 s2, $0x4;
	s8 =	smul.u32 $0x27800, s2;
	s2 =	ssub.s32 $0x2, s2  }
0x9: {  	[dreg:$0x3] =	wrdreg s12;
	s9 =	sor.u32 s11, s6;
	s6 =	sadd.s32 $0xD400, s0  }
0xa: {  	s20 =	sshrl.u32 s2, $0x1;
	s21 =	sshrl.u32 s10, $0x2;
	s9 =	smul.u32 $0x2780, s9  }
0xb: {  	s7 =	sadd.s32 s7, s8;
	s2 =	ssub.s32 s2, s20;
	s20 =	sadd.s32 s21, s1  }
0xc: {  	s8 =	sor.u32 $0x1C03, s22;
	s21 =	simm.s32 $0x3;
	s22 =	simm.s32 $0x80  }
0xd: {  	s0 =	sadd.s32 s7, s0;
	s26 =	sadd.s32 $0x80, s7;
	s17 =	sadd.s32 $0x100, s7  }
0xe: {  	s20 =	sshrl.u32 s20, $0x3;
	s14 =	sshrl.u32 s9, $0x3;
	s13 =	sadd.s32 $0x41200, s0  }
0xf: {  	s31 =	sshrl.u32 s26, $0x3;
	s26 =	simm.s32 $0x4200;
	s23 =	sadd.s32 $0x4E0, s14  }
0x10: {  	s9 =	sadd.s32 s5, s14;
	s24 =	sadd.s32 s6, s14;
	s25 =	sadd.s32 $0x4D0, s14  }
0x11: {  	s14 =	smax.u32 s2, $0x1;
	s18 =	sadd.s32 s31, s6;
	[dreg:$0x4] =	wrdreg s9  }
0x12: {  	s19 =	sadd.s32 s31, s5;
	[dreg:$0x5] =	wrdreg s24;
	s11 =	sadd.s32 s5, s23  }
0x13: {  	s12 =	sadd.s32 s6, s23;
	s15 =	sadd.s32 s5, s25;
	s16 =	sadd.s32 s6, s25  }
0x14: {  	s23 =	simm.s32 $0x100;
	s24 =	simm.s32 $0x4100;
	s25 =	simm.s32 $0x4180  }
.LBB2_1:
0x15: {  	s0 =	rddreg [dreg:$0x3]  }
0x16: {  	[spmem:s20], [sflag:s8] =	dma.local [hbm:s0], $0x2780  }
0x17: {  	_ =	swait.ge [sflag:s21], $0x2780  }
0x18: {  	[sflag:s21] =	ssyncset.done $0x0  }
0x19: {  	[sflag:s21] =	ssyncadd.s32 $0xFFFFD880  }
0x1a: {  	[bflag:$0x0] =	sbarrier.arrive $0xFFFF  }
0x1b: {  	s10 =	rddreg [dreg:$0x4]  }
0x1c: {  	[tilespmem:s3], [sflag:$0x3] =	stream.linear.gather [hbm4b:s10+s3], $0x80, $0x38;
	[tilespmem:$0x1BE00] =	vst v63  }
0x1d: {  	_ =	swait.ge [sflag:s21], $0x80  }
0x1e: {  	[sflag:s21] =	ssyncset.done $0x0  }
0x1f: {  	s2 =	rddreg [dreg:$0x5];
	[sflag:s21] =	ssyncadd.s32 $0xFFFFFF80  }
0x20: {  	[tilespmem:s22], [sflag:$0x3] =	stream.linear.gather [hbm4b:s2+s3], $0x80, $0x38;
	[tilespmem:$0x1BE00] =	vst v63  }
0x21: {  	_ =	swait.ge [sflag:s21], $0x80  }
0x22: {  	[sflag:s21] =	ssyncset.done $0x0  }
0x23: {  	[sflag:s21] =	ssyncadd.s32 $0xFFFFFF80  }
0x24: {  	[tilespmem:s23], [sflag:$0x1] =	stream.indirect.gather [hbm4b:s4+s22], $0x80, s3, s22, $0xb8;
	[tilespmem:$0x1BE00] =	vst v63  }
0x25: {  	s7 =	sadd.s32 $0x0, s19  }
0x26: {  	[tilespmem:s24], [sflag:$0x3] =	stream.linear.gather [hbm4b:s7+s3], $0x80, $0x38;
	[tilespmem:$0x1BE00] =	vst v63  }
0x27: {  	_ =	swait.ge [sflag:s21], $0x80  }
0x28: {  	[sflag:s21] =	ssyncset.done $0x0  }
0x29: {  	s9 =	sadd.s32 $0x0, s18;
	[sflag:s21] =	ssyncadd.s32 $0xFFFFFF80  }
0x2a: {  	[tilespmem:s25], [sflag:$0x3] =	stream.linear.gather [hbm4b:s9+s3], $0x80, $0x38;
	[tilespmem:$0x1BE00] =	vst v63  }
0x2b: {  	_ =	swait.ge [sflag:s21], $0x80  }
0x2c: {  	[sflag:s21] =	ssyncset.done $0x0  }
0x2d: {  	[sflag:s21] =	ssyncadd.s32 $0xFFFFFF80  }
0x2e: {  	[tilespmem:s26], [sflag:$0x2] =	stream.indirect.gather [hbm4b:s4+s22], $0x80, s24, s22, $0xb8;
	[tilespmem:$0x1BE00] =	vst v63  }
0x2f: {  	_ =	swait.ge [sflag:s28], $0x4000  }
0x30: {  	[sflag:s28] =	ssyncset.done $0x0  }
0x31: {  	[sflag:s28] =	ssyncadd.s32 $0xFFFFC000  }
0x32: {  	[spmem:s1] =	stream.indirect.scatter.add.f32 [tilespmem:s23], [sflag:$0x3], $0x80, s22, s22, $0xb8;
	[tilespmem:$0x1BE00] =	vst v63  }
0x33: {  	_ =	swait.ge [sflag:s21], $0x4000  }
0x34: {  	s10 =	sshrl.u32 s17, $0x3;
	[sflag:s21] =	ssyncset.done $0x0  }
0x35: {  	s2 =	sadd.s32 s5, s10;
	[sflag:s21] =	ssyncadd.s32 $0xFFFFC000  }
0x36: {  	[tilespmem:s3], [sflag:$0x3] =	stream.linear.gather [hbm4b:s2+s3], $0x80, $0x38;
	[tilespmem:$0x1BE00] =	vst v63  }
0x37: {  	_ =	swait.ge [sflag:s21], $0x80  }
0x38: {  	[sflag:s21] =	ssyncset.done $0x0  }
0x39: {  	s0 =	sadd.s32 s6, s10;
	[sflag:s21] =	ssyncadd.s32 $0xFFFFFF80  }
0x3a: {  	[tilespmem:s22], [sflag:$0x3] =	stream.linear.gather [hbm4b:s0+s3], $0x80, $0x38;
	[tilespmem:$0x1BE00] =	vst v63  }
0x3b: {  	_ =	swait.ge [sflag:s21], $0x80  }
0x3c: {  	[sflag:s21] =	ssyncset.done $0x0  }
0x3d: {  	[sflag:s21] =	ssyncadd.s32 $0xFFFFFF80  }
0x3e: {  	[tilespmem:s23], [sflag:$0x1] =	stream.indirect.gather [hbm4b:s4+s22], $0x80, s3, s22, $0xb8;
	[tilespmem:$0x1BE00] =	vst v63  }
0x3f: {  	_ =	swait.ge [sflag:s29], $0x4000  }
0x40: {  	[sflag:s29] =	ssyncset.done $0x0  }
0x41: {  	[sflag:s29] =	ssyncadd.s32 $0xFFFFC000  }
0x42: {  	[spmem:s1] =	stream.indirect.scatter.add.f32 [tilespmem:s26], [sflag:$0x3], $0x80, s25, s22, $0xb8;
	[tilespmem:$0x1BE00] =	vst v63  }
0x43: {  	s31 =	sadd.s32 $0x100, s17;
	_ =	swait.ge [sflag:s21], $0x4000  }
0x44: {  	s2 =	simm.s32 $0x40;
	s0 =	simm.s32 $0x20;
	[sflag:s21] =	ssyncset.done $0x0  }
.LBB2_2:
0x45: {  	s9 =	sadd.s32 s0, s19  }
0x46: {  	[sflag:s21] =	ssyncadd.s32 $0xFFFFC000;
	s10 =	smov.u32 s2;
	s7 =	sadd.s32 $0x20, s2  }
0x47: {  	[tilespmem:s24], [sflag:$0x3] =	stream.linear.gather [hbm4b:s9+s3], $0x80, $0x38;
	[tilespmem:$0x1BE00] =	vst v63  }
0x48: {  	p0 =	sne.s32 s2, $0x4A0;
	_ =	swait.ge [sflag:s21], $0x80  }
0x49: {  	[sflag:s21] =	ssyncset.done $0x0  }
0x4a: {  	s2 =	sadd.s32 s0, s18;
	s0 =	smov.u32 s10;
	[sflag:s21] =	ssyncadd.s32 $0xFFFFFF80  }
0x4b: {  	[tilespmem:s25], [sflag:$0x3] =	stream.linear.gather [hbm4b:s2+s3], $0x80, $0x38;
	[tilespmem:$0x1BE00] =	vst v63  }
0x4c: {  	_ =	swait.ge [sflag:s21], $0x80  }
0x4d: {  	[sflag:s21] =	ssyncset.done $0x0  }
0x4e: {  	[sflag:s21] =	ssyncadd.s32 $0xFFFFFF80  }
0x4f: {  	[tilespmem:s26], [sflag:$0x2] =	stream.indirect.gather [hbm4b:s4+s22], $0x80, s24, s22, $0xb8;
	[tilespmem:$0x1BE00] =	vst v63  }
0x50: {  	_ =	swait.ge [sflag:s28], $0x4000  }
0x51: {  	[sflag:s28] =	ssyncset.done $0x0  }
0x52: {  	[sflag:s28] =	ssyncadd.s32 $0xFFFFC000  }
0x53: {  	[spmem:s1] =	stream.indirect.scatter.add.f32 [tilespmem:s23], [sflag:$0x3], $0x80, s22, s22, $0xb8;
	[tilespmem:$0x1BE00] =	vst v63  }
0x54: {  	_ =	swait.ge [sflag:s21], $0x4000  }
0x55: {  	s2 =	sshrl.u32 s31, $0x3;
	[sflag:s21] =	ssyncset.done $0x0  }
0x56: {  	s9 =	sadd.s32 s5, s2;
	[sflag:s21] =	ssyncadd.s32 $0xFFFFC000  }
0x57: {  	[tilespmem:s3], [sflag:$0x3] =	stream.linear.gather [hbm4b:s9+s3], $0x80, $0x38;
	[tilespmem:$0x1BE00] =	vst v63  }
0x58: {  	_ =	swait.ge [sflag:s21], $0x80  }
0x59: {  	[sflag:s21] =	ssyncset.done $0x0  }
0x5a: {  	s2 =	sadd.s32 s6, s2;
	[sflag:s21] =	ssyncadd.s32 $0xFFFFFF80  }
0x5b: {  	[tilespmem:s22], [sflag:$0x3] =	stream.linear.gather [hbm4b:s2+s3], $0x80, $0x38;
	[tilespmem:$0x1BE00] =	vst v63  }
0x5c: {  	_ =	swait.ge [sflag:s21], $0x80  }
0x5d: {  	[sflag:s21] =	ssyncset.done $0x0  }
0x5e: {  	[sflag:s21] =	ssyncadd.s32 $0xFFFFFF80  }
0x5f: {  	[tilespmem:s23], [sflag:$0x1] =	stream.indirect.gather [hbm4b:s4+s22], $0x80, s3, s22, $0xb8;
	[tilespmem:$0x1BE00] =	vst v63  }
0x60: {  	_ =	swait.ge [sflag:s29], $0x4000  }
.Ltmp0:
0x61: {  	[sflag:s29] =	ssyncset.done $0x0;
	(pc) =	sbr.rel @p0 .LBB2_2-.Ltmp0, $4  }
0x62: {  	[sflag:s29] =	ssyncadd.s32 $0xFFFFC000  }
0x63: {  	[spmem:s1] =	stream.indirect.scatter.add.f32 [tilespmem:s26], [sflag:$0x3], $0x80, s25, s22, $0xb8;
	[tilespmem:$0x1BE00] =	vst v63  }
0x64: {  	_ =	swait.ge [sflag:s21], $0x4000  }
0x65: {  	s31 =	sadd.s32 $0x100, s31;
	s2 =	smov.u32 s7;
	[sflag:s21] =	ssyncset.done $0x0  }
0x66: {  	s2 =	sadd.s32 s0, s19;
	[sflag:s21] =	ssyncadd.s32 $0xFFFFC000  }
0x67: {  	[tilespmem:s24], [sflag:$0x3] =	stream.linear.gather [hbm4b:s2+s3], $0x80, $0x38;
	[tilespmem:$0x1BE00] =	vst v63  }
0x68: {  	_ =	swait.ge [sflag:s21], $0x80  }
0x69: {  	[sflag:s21] =	ssyncset.done $0x0  }
0x6a: {  	s9 =	sadd.s32 s0, s18;
	[sflag:s21] =	ssyncadd.s32 $0xFFFFFF80  }
0x6b: {  	[tilespmem:s25], [sflag:$0x3] =	stream.linear.gather [hbm4b:s9+s3], $0x80, $0x38;
	[tilespmem:$0x1BE00] =	vst v63  }
0x6c: {  	_ =	swait.ge [sflag:s21], $0x80  }
0x6d: {  	[sflag:s21] =	ssyncset.done $0x0  }
0x6e: {  	[sflag:s21] =	ssyncadd.s32 $0xFFFFFF80  }
0x6f: {  	[tilespmem:s26], [sflag:$0x2] =	stream.indirect.gather [hbm4b:s4+s22], $0x80, s24, s22, $0xb8;
	[tilespmem:$0x1BE00] =	vst v63  }
0x70: {  	_ =	swait.ge [sflag:s28], $0x4000  }
0x71: {  	[sflag:s28] =	ssyncset.done $0x0  }
0x72: {  	[sflag:s28] =	ssyncadd.s32 $0xFFFFC000  }
0x73: {  	[spmem:s1] =	stream.indirect.scatter.add.f32 [tilespmem:s23], [sflag:$0x3], $0x80, s22, s22, $0xb8;
	[tilespmem:$0x1BE00] =	vst v63  }
0x74: {  	_ =	swait.ge [sflag:s21], $0x4000  }
0x75: {  	s10 =	sshrl.u32 s31, $0x3;
	[sflag:s21] =	ssyncset.done $0x0  }
0x76: {  	s31 =	sadd.s32 s5, s10;
	[sflag:s21] =	ssyncadd.s32 $0xFFFFC000  }
0x77: {  	[tilespmem:s3], [sflag:$0x3] =	stream.linear.gather [hbm4b:s31+s3], $0x80, $0x38;
	[tilespmem:$0x1BE00] =	vst v63  }
0x78: {  	_ =	swait.ge [sflag:s21], $0x80  }
0x79: {  	[sflag:s21] =	ssyncset.done $0x0  }
0x7a: {  	s0 =	sadd.s32 s6, s10;
	[sflag:s21] =	ssyncadd.s32 $0xFFFFFF80  }
0x7b: {  	[tilespmem:s22], [sflag:$0x3] =	stream.linear.gather [hbm4b:s0+s3], $0x80, $0x38;
	[tilespmem:$0x1BE00] =	vst v63  }
0x7c: {  	_ =	swait.ge [sflag:s21], $0x80  }
0x7d: {  	[sflag:s21] =	ssyncset.done $0x0  }
0x7e: {  	[sflag:s21] =	ssyncadd.s32 $0xFFFFFF80  }
0x7f: {  	[tilespmem:s23], [sflag:$0x1] =	stream.indirect.gather [hbm4b:s4+s22], $0x80, s3, s22, $0xb8;
	[tilespmem:$0x1BE00] =	vst v63  }
0x80: {  	_ =	swait.ge [sflag:s29], $0x4000  }
0x81: {  	[sflag:s29] =	ssyncset.done $0x0  }
0x82: {  	[sflag:s29] =	ssyncadd.s32 $0xFFFFC000  }
0x83: {  	[spmem:s1] =	stream.indirect.scatter.add.f32 [tilespmem:s26], [sflag:$0x3], $0x80, s25, s22, $0xb8;
	[tilespmem:$0x1BE00] =	vst v63  }
0x84: {  	_ =	swait.ge [sflag:s21], $0x4000  }
0x85: {  	[sflag:s21] =	ssyncset.done $0x0  }
0x86: {  	[sflag:s21] =	ssyncadd.s32 $0xFFFFC000  }
0x87: {  	[tilespmem:s24], [sflag:$0x3] =	stream.linear.gather [hbm4b:s15+s3], $0x80, $0x38;
	[tilespmem:$0x1BE00] =	vst v63  }
0x88: {  	_ =	swait.ge [sflag:s21], $0x80  }
0x89: {  	[sflag:s21] =	ssyncset.done $0x0  }
0x8a: {  	[sflag:s21] =	ssyncadd.s32 $0xFFFFFF80  }
0x8b: {  	[tilespmem:s25], [sflag:$0x3] =	stream.linear.gather [hbm4b:s16+s3], $0x80, $0x38;
	[tilespmem:$0x1BE00] =	vst v63  }
0x8c: {  	_ =	swait.ge [sflag:s21], $0x80  }
0x8d: {  	[sflag:s21] =	ssyncset.done $0x0  }
0x8e: {  	[sflag:s21] =	ssyncadd.s32 $0xFFFFFF80  }
0x8f: {  	[tilespmem:s26], [sflag:$0x2] =	stream.indirect.gather [hbm4b:s4+s22], $0x80, s24, s22, $0xb8;
	[tilespmem:$0x1BE00] =	vst v63  }
0x90: {  	_ =	swait.ge [sflag:s28], $0x4000  }
0x91: {  	[sflag:s28] =	ssyncset.done $0x0  }
0x92: {  	[sflag:s28] =	ssyncadd.s32 $0xFFFFC000  }
0x93: {  	[spmem:s1] =	stream.indirect.scatter.add.f32 [tilespmem:s23], [sflag:$0x3], $0x80, s22, s22, $0xb8;
	[tilespmem:$0x1BE00] =	vst v63  }
0x94: {  	_ =	swait.ge [sflag:s21], $0x4000  }
0x95: {  	[sflag:s21] =	ssyncset.done $0x0  }
0x96: {  	[sflag:s21] =	ssyncadd.s32 $0xFFFFC000  }
0x97: {  	_ =	swait.ge [sflag:s29], $0x4000  }
0x98: {  	[sflag:s29] =	ssyncset.done $0x0  }
0x99: {  	[sflag:s29] =	ssyncadd.s32 $0xFFFFC000  }
0x9a: {  	[spmem:s1] =	stream.indirect.scatter.add.f32 [tilespmem:s26], [sflag:$0x3], $0x80, s25, s22, $0xb8;
	[tilespmem:$0x1BE00] =	vst v63  }
0x9b: {  	_ =	swait.ge [sflag:s21], $0x4000  }
0x9c: {  	[sflag:s21] =	ssyncset.done $0x0  }
0x9d: {  	[sflag:s21] =	ssyncadd.s32 $0xFFFFC000  }
0x9e: {  	[tilespmem:s3], [sflag:$0x3] =	stream.linear.gather [hbm4b:s11+s3], $0x80, $0x38;
	[tilespmem:$0x1BE00] =	vst v63  }
0x9f: {  	_ =	swait.ge [sflag:s21], $0x80  }
0xa0: {  	[sflag:s21] =	ssyncset.done $0x0  }
0xa1: {  	[sflag:s21] =	ssyncadd.s32 $0xFFFFFF80  }
0xa2: {  	[tilespmem:s22], [sflag:$0x3] =	stream.linear.gather [hbm4b:s12+s3], $0x80, $0x38;
	[tilespmem:$0x1BE00] =	vst v63  }
0xa3: {  	_ =	swait.ge [sflag:s21], $0x80  }
0xa4: {  	[sflag:s21] =	ssyncset.done $0x0  }
0xa5: {  	[sflag:s21] =	ssyncadd.s32 $0xFFFFFF80  }
0xa6: {  	[tilespmem:s23], [sflag:$0x1] =	stream.indirect.gather [hbm4b:s4+s22], $0x80, s3, s22, $0xb8;
	[tilespmem:$0x1BE00] =	vst v63  }
0xa7: {  	_ =	swait.ge [sflag:s28], $0x4000  }
0xa8: {  	[sflag:s28] =	ssyncset.done $0x0  }
0xa9: {  	[sflag:s28] =	ssyncadd.s32 $0xFFFFC000  }
0xaa: {  	[spmem:s1] =	stream.indirect.scatter.add.f32 [tilespmem:s23], [sflag:$0x3], $0x80, s22, s22, $0xb8;
	[tilespmem:$0x1BE00] =	vst v63  }
0xab: {  	_ =	swait.ge [sflag:s21], $0x4000  }
0xac: {  	s30 =	sadd.s32 $0x1, s30;
	[sflag:s21] =	ssyncset.done $0x0  }
0xad: {  	p0 =	sne.s32 s30, s14;
	[sflag:s21] =	ssyncadd.s32 $0xFFFFC000  }
.Ltmp1:
0xae: {  	[bflag:$0x0] =	sbarrier.arrive $0xFFFF;
	(pc) =	sbr.rel @p0 .LBB2_1-.Ltmp1, $4  }
0xaf: {  	[hbm:s13], [sflag:s8] =	dma.local [spmem:s20], $0x2780  }
0xb0: {  	_ =	swait.ge [sflag:s21], $0x2780  }
0xb1: {  	[sflag:s21] =	ssyncset.done $0x0  }
0xb2: {  	[sflag:s21] =	ssyncadd.s32 $0xFFFFD880  }
0xb3: {  	_ =	sfence.sel $0x180000  }
0xb4: {  	[bflag:$0x0] =	sbarrier.arrive $0xFFFF  }
0xb5: {  	_ =	strace $0x90000047  }
0xb6: {  	s0 =	stileid.u32;
	[bflag:$0x2] =	sbarrier.arrive $0xFFFF  }
0xb7: {  	p0 =	sne.s32 s0, $0x0;
	s0 =	rddreg [dreg:$0x2]  }
0xb8: {  	s0 =	sadd.s32 @!p0 $0x100000, s0  }
0xb9: {  	[sflag:s0] =	ssyncadd.tile.s32 @!p0 $0x1;
	_ =	shalt  }
.Lfunc_end2:
_tile_overlayer_lowered:
.L_overlay_start_2:
0xba: {  	(tag) =	ssettag $0x2  }
0xbb: {  	s0 =	rddreg [dreg:$0x0];
	s2 =	stileid.u32  }
0xbc: {  	s1 =	rddreg [dreg:$0x1];
	p0 =	sne.s32 s2, $0x0  }
0xbd: {  	s3 =	rddreg [dreg:$0x2];
	[bflag:$0x3] =	sbarrier.arrive $0xFFFF;
	s2 =	simm.s32 @!p0 $0x1C03  }
0xbe: {  	[timem:s3], [sflag:s2] =	dma.local @!p0 [hbm:s0], s1  }
0xbf: {  	s0 =	simm.s32 @!p0 $0x3  }
0xc0: {  	_ =	swait.ge @!p0 [sflag:s0], s1  }
0xc1: {  	s1 =	ssub.s32 @!p0 $0x0, s1;
	[sflag:s0] =	ssyncset.done @!p0 $0x0  }
0xc2: {  	[sflag:s0] =	ssyncadd.s32 @!p0 s1  }
0xc3: {  	[bflag:$0x3] =	sbarrier.arrive $0xFFFF  }
0xc4: {  	_ =	shalt  }

</sc_bundles>
